<compile_context>
chip_gen: v7x
topology: tpu7x:2x2x1
jax: 0.10.2.dev20260603
libtpu: 0.0.44.dev20260713+nightly
codegen_flags: <defaults>
</compile_context>

<pallas_src>
import functools

import jax
import jax.numpy as jnp
from jax import lax
from jax.experimental import pallas as pl
from jax.experimental.pallas import tpu as pltpu
from jax.experimental.pallas import tpu_sc as plsc

L = 16


@functools.lru_cache(maxsize=None)
def _build(B: int, N: int):
    info = plsc.get_sparse_core_info()
    NC, NS = info.num_cores, info.num_subcores
    NW = NC * NS
    b_per_w = B // NW
    CH = 8192
    n_chunks = b_per_w // CH
    mesh = plsc.VectorSubcoreMesh(core_axis_name="c", subcore_axis_name="s")

    buf_types = []
    for _ in range(2):
        buf_types += [
            pltpu.VMEM((CH,), jnp.int32),
            pltpu.VMEM((CH,), jnp.float32),
            pltpu.VMEM((CH,), jnp.float32),
            pltpu.VMEM((CH,), jnp.float32),
        ]
    sem_types = [pltpu.SemaphoreType.DMA] * 8

    @functools.partial(
        pl.kernel,
        mesh=mesh,
        out_type=jax.ShapeDtypeStruct((NW * L,), jnp.float32),
        scratch_types=buf_types + [pltpu.VMEM((L,), jnp.float32)] + sem_types,
    )
    def k(x_hbm, idx_hbm, g_hbm, h_hbm, out_hbm,
          idx0, x0, g0, h0, idx1, x1, g1, h1, acc_v,
          si0, sx0, sg0, sh0, si1, sx1, sg1, sh1):
        wid = lax.axis_index("s") * NC + lax.axis_index("c")
        base = wid * b_per_w
        bufs = ((idx0, x0, g0, h0, si0, sx0, sg0, sh0),
                (idx1, x1, g1, h1, si1, sx1, sg1, sh1))

        def start_stage(ci, b):
            idx_v, x_v, g_v, h_v, si, sx, sg, sh = bufs[b]
            off = base + ci * CH
            cp_i = pltpu.async_copy(idx_hbm.at[pl.ds(off, CH)], idx_v, si)
            cp_x = pltpu.async_copy(x_hbm.at[pl.ds(off, CH)], x_v, sx)
            cp_i.wait()
            cp_g = pltpu.async_copy(g_hbm.at[idx_v], g_v, sg)
            cp_h = pltpu.async_copy(h_hbm.at[idx_v], h_v, sh)
            return cp_x, cp_g, cp_h

        UNROLL = 4

        def make_body(x_v, g_v, h_v):
            def vec_body(i, accs):
                out = []
                for j in range(UNROLL):
                    off = (i * UNROLL + j) * L
                    xx = x_v[pl.ds(off, L)]
                    g = g_v[pl.ds(off, L)]
                    h = h_v[pl.ds(off, L)]
                    out.append(accs[j] + xx * (g + 0.5 * h * xx))
                return tuple(out)
            return vec_body

        inflight = [start_stage(0, 0), None]
        accs = tuple(jnp.zeros((L,), jnp.float32) for _ in range(UNROLL))
        for ci in range(n_chunks):
            b = ci & 1
            if ci + 1 < n_chunks:
                inflight[b ^ 1] = start_stage(ci + 1, b ^ 1)
            cp_x, cp_g, cp_h = inflight[b]
            cp_x.wait()
            cp_g.wait()
            cp_h.wait()
            x_v, g_v, h_v = bufs[b][1], bufs[b][2], bufs[b][3]
            accs = lax.fori_loop(0, CH // L // UNROLL,
                                 make_body(x_v, g_v, h_v), accs)

        acc_v[...] = accs[0] + accs[1] + (accs[2] + accs[3])
        pltpu.sync_copy(acc_v, out_hbm.at[pl.ds(wid * L, L)])

    return k


def kernel(x, index, G_k, H_k):
    B = x.shape[0]
    N = G_k.shape[0]
    k = _build(B, N)
    partials = k(x, index.astype(jnp.int32), G_k, H_k)
    return jnp.sum(partials) * jnp.float32(1.0 / B)

# --- scband reference (transcript-rebuilt; emitter-appended) ---
"""Pipeline reference for scband-loss-model-local-21028159881649 (READ-ONLY COPY).

The authoritative reference and input builder live on the scoring server;
editing this copy changes nothing except your own understanding.
"""

import jax, jax.numpy as jnp
import numpy as np

N = 10_000_000
B = 1_048_576


def setup_inputs(seed: int = 0) -> dict:
    key = jax.random.key(seed)
    k1, k2, k3, k4 = jax.random.split(key, 4)
    x = jax.random.normal(k1, (B,), dtype=jnp.float32)
    index = jax.random.randint(k2, (B,), 0, N)
    G_k = jax.random.normal(k3, (N,), dtype=jnp.float32)
    H_k = jax.random.normal(k4, (N,), dtype=jnp.float32)
    return {"x": x, "index": index, "G_k": G_k, "H_k": H_k}


def reference(x, index, G_k, H_k):
    # Faithful translation of:
    #   torch.mean(self.G_k[index] * x + 0.5 * self.H_k[index] * x ** 2)
    g = jnp.take(G_k, index, axis=0)
    h = jnp.take(H_k, index, axis=0)
    return jnp.mean(g * x + 0.5 * h * (x ** 2))

if __name__ == "__main__":
    import jax
    _d = setup_inputs()
    print(jax.jit(kernel)(*tuple(_d.values())))

</pallas_src>

<mosaic_0001>
#map = affine_map<(d0, d1) -> (0)>
module attributes {stable_mosaic.version = 14 : i64} {
  func.func @k(%arg0: i32, %arg1: i32, %arg2: memref<1048576xf32, #tpu.memory_space<hbm>>, %arg3: memref<1048576xi32, #tpu.memory_space<hbm>>, %arg4: memref<10000000xf32, #tpu.memory_space<hbm>>, %arg5: memref<10000000xf32, #tpu.memory_space<hbm>>, %arg6: memref<512xf32, #tpu.memory_space<hbm>>, %arg7: memref<8192xi32, #tpu.memory_space<vmem>>, %arg8: memref<8192xf32, #tpu.memory_space<vmem>>, %arg9: memref<8192xf32, #tpu.memory_space<vmem>>, %arg10: memref<8192xf32, #tpu.memory_space<vmem>>, %arg11: memref<8192xi32, #tpu.memory_space<vmem>>, %arg12: memref<8192xf32, #tpu.memory_space<vmem>>, %arg13: memref<8192xf32, #tpu.memory_space<vmem>>, %arg14: memref<8192xf32, #tpu.memory_space<vmem>>, %arg15: memref<16xf32, #tpu.memory_space<vmem>>, %arg16: memref<!tpu.dma_semaphore, #tpu.memory_space<semaphore_mem>>, %arg17: memref<!tpu.dma_semaphore, #tpu.memory_space<semaphore_mem>>, %arg18: memref<!tpu.dma_semaphore, #tpu.memory_space<semaphore_mem>>, %arg19: memref<!tpu.dma_semaphore, #tpu.memory_space<semaphore_mem>>, %arg20: memref<!tpu.dma_semaphore, #tpu.memory_space<semaphore_mem>>, %arg21: memref<!tpu.dma_semaphore, #tpu.memory_space<semaphore_mem>>, %arg22: memref<!tpu.dma_semaphore, #tpu.memory_space<semaphore_mem>>, %arg23: memref<!tpu.dma_semaphore, #tpu.memory_space<semaphore_mem>>) attributes {dimension_semantics = [#tpu.dimension_semantics<core_parallel>, #tpu.dimension_semantics<subcore_parallel>], iteration_bounds = array<i64: 2, 16>, scalar_prefetch = 0 : i64, scratch_operands = 17 : i64, tpu.core_type = #tpu.core_type<sc_vector_subcore>, window_params = [{transform_indices = #map}, {transform_indices = #map}, {transform_indices = #map}, {transform_indices = #map}, {transform_indices = #map}]} {
    %mul3A = arith.constant 2 : i32
    %mul3A_0 = arith.muli %arg1, %mul3A : i32
    %add3A = arith.addi %mul3A_0, %arg0 : i32
    %mul3A_1 = arith.constant 32768 : i32
    %mul3A_2 = arith.muli %add3A, %mul3A_1 : i32
    %add3A_3 = arith.constant 0 : i32
    %add3A_4 = arith.addi %mul3A_2, %add3A_3 : i32
    %dma_start3A = tpu.memref_slice %arg3[%add3A_4] : memref<1048576xi32, #tpu.memory_space<hbm>> -> memref<8192xi32, #tpu.memory_space<hbm>>
    %dma_start3A_5 = tpu.memref_slice %arg3[%add3A_4] : memref<1048576xi32, #tpu.memory_space<hbm>> -> memref<8192xi32, #tpu.memory_space<hbm>>
    tpu.enqueue_dma source(%dma_start3A_5 : memref<8192xi32, #tpu.memory_space<hbm>>) target(%arg7 : memref<8192xi32, #tpu.memory_space<vmem>>) target_semaphore(%arg16 : memref<!tpu.dma_semaphore, #tpu.memory_space<semaphore_mem>>)
    %dma_start3A_6 = tpu.memref_slice %arg2[%add3A_4] : memref<1048576xf32, #tpu.memory_space<hbm>> -> memref<8192xf32, #tpu.memory_space<hbm>>
    %dma_start3A_7 = tpu.memref_slice %arg2[%add3A_4] : memref<1048576xf32, #tpu.memory_space<hbm>> -> memref<8192xf32, #tpu.memory_space<hbm>>
    tpu.enqueue_dma source(%dma_start3A_7 : memref<8192xf32, #tpu.memory_space<hbm>>) target(%arg8 : memref<8192xf32, #tpu.memory_space<vmem>>) target_semaphore(%arg17 : memref<!tpu.dma_semaphore, #tpu.memory_space<semaphore_mem>>)
    %dma_wait3A = tpu.memref_slice %arg3[%add3A_4] : memref<1048576xi32, #tpu.memory_space<hbm>> -> memref<8192xi32, #tpu.memory_space<hbm>>
    %dma_wait3A_8 = tpu.memref_slice %arg3[%add3A_4] : memref<1048576xi32, #tpu.memory_space<hbm>> -> memref<8192xi32, #tpu.memory_space<hbm>>
    tpu.wait_dma2 semaphore(%arg16 : memref<!tpu.dma_semaphore, #tpu.memory_space<semaphore_mem>>) src(%dma_wait3A_8 : memref<8192xi32, #tpu.memory_space<hbm>>) dst(%arg7 : memref<8192xi32, #tpu.memory_space<vmem>>)
    %dma_start3A_9 = arith.constant 0 : i32
    %dma_start3A_10 = tpu.memref_slice %arg4[%dma_start3A_9] : memref<10000000xf32, #tpu.memory_space<hbm>> -> memref<10000000xf32, #tpu.memory_space<hbm>>
    tpu.enqueue_indirect_dma source(%dma_start3A_10 : memref<10000000xf32, #tpu.memory_space<hbm>>) target(%arg9 : memref<8192xf32, #tpu.memory_space<vmem>>) offsets(%arg7 : memref<8192xi32, #tpu.memory_space<vmem>>) semaphore(%arg18 : memref<!tpu.dma_semaphore, #tpu.memory_space<semaphore_mem>>)
    %dma_start3A_11 = arith.constant 0 : i32
    %dma_start3A_12 = tpu.memref_slice %arg5[%dma_start3A_11] : memref<10000000xf32, #tpu.memory_space<hbm>> -> memref<10000000xf32, #tpu.memory_space<hbm>>
    tpu.enqueue_indirect_dma source(%dma_start3A_12 : memref<10000000xf32, #tpu.memory_space<hbm>>) target(%arg10 : memref<8192xf32, #tpu.memory_space<vmem>>) offsets(%arg7 : memref<8192xi32, #tpu.memory_space<vmem>>) semaphore(%arg19 : memref<!tpu.dma_semaphore, #tpu.memory_space<semaphore_mem>>)
    %broadcast_in_dim3A = arith.constant 0.000000e+00 : f32
    %broadcast_in_dim3A_13 = vector.broadcast %broadcast_in_dim3A : f32 to vector<16xf32>
    %broadcast_in_dim3A_14 = arith.constant 0.000000e+00 : f32
    %broadcast_in_dim3A_15 = vector.broadcast %broadcast_in_dim3A_14 : f32 to vector<16xf32>
    %broadcast_in_dim3A_16 = arith.constant 0.000000e+00 : f32
    %broadcast_in_dim3A_17 = vector.broadcast %broadcast_in_dim3A_16 : f32 to vector<16xf32>
    %broadcast_in_dim3A_18 = arith.constant 0.000000e+00 : f32
    %broadcast_in_dim3A_19 = vector.broadcast %broadcast_in_dim3A_18 : f32 to vector<16xf32>
    %add3A_20 = arith.constant 8192 : i32
    %add3A_21 = arith.addi %mul3A_2, %add3A_20 : i32
    %dma_start3A_22 = tpu.memref_slice %arg3[%add3A_21] : memref<1048576xi32, #tpu.memory_space<hbm>> -> memref<8192xi32, #tpu.memory_space<hbm>>
    %dma_start3A_23 = tpu.memref_slice %arg3[%add3A_21] : memref<1048576xi32, #tpu.memory_space<hbm>> -> memref<8192xi32, #tpu.memory_space<hbm>>
    tpu.enqueue_dma source(%dma_start3A_23 : memref<8192xi32, #tpu.memory_space<hbm>>) target(%arg11 : memref<8192xi32, #tpu.memory_space<vmem>>) target_semaphore(%arg20 : memref<!tpu.dma_semaphore, #tpu.memory_space<semaphore_mem>>)
    %dma_start3A_24 = tpu.memref_slice %arg2[%add3A_21] : memref<1048576xf32, #tpu.memory_space<hbm>> -> memref<8192xf32, #tpu.memory_space<hbm>>
    %dma_start3A_25 = tpu.memref_slice %arg2[%add3A_21] : memref<1048576xf32, #tpu.memory_space<hbm>> -> memref<8192xf32, #tpu.memory_space<hbm>>
    tpu.enqueue_dma source(%dma_start3A_25 : memref<8192xf32, #tpu.memory_space<hbm>>) target(%arg12 : memref<8192xf32, #tpu.memory_space<vmem>>) target_semaphore(%arg21 : memref<!tpu.dma_semaphore, #tpu.memory_space<semaphore_mem>>)
    %dma_wait3A_26 = tpu.memref_slice %arg3[%add3A_21] : memref<1048576xi32, #tpu.memory_space<hbm>> -> memref<8192xi32, #tpu.memory_space<hbm>>
    %dma_wait3A_27 = tpu.memref_slice %arg3[%add3A_21] : memref<1048576xi32, #tpu.memory_space<hbm>> -> memref<8192xi32, #tpu.memory_space<hbm>>
    tpu.wait_dma2 semaphore(%arg20 : memref<!tpu.dma_semaphore, #tpu.memory_space<semaphore_mem>>) src(%dma_wait3A_27 : memref<8192xi32, #tpu.memory_space<hbm>>) dst(%arg11 : memref<8192xi32, #tpu.memory_space<vmem>>)
    %dma_start3A_28 = arith.constant 0 : i32
    %dma_start3A_29 = tpu.memref_slice %arg4[%dma_start3A_28] : memref<10000000xf32, #tpu.memory_space<hbm>> -> memref<10000000xf32, #tpu.memory_space<hbm>>
    tpu.enqueue_indirect_dma source(%dma_start3A_29 : memref<10000000xf32, #tpu.memory_space<hbm>>) target(%arg13 : memref<8192xf32, #tpu.memory_space<vmem>>) offsets(%arg11 : memref<8192xi32, #tpu.memory_space<vmem>>) semaphore(%arg22 : memref<!tpu.dma_semaphore, #tpu.memory_space<semaphore_mem>>)
    %dma_start3A_30 = arith.constant 0 : i32
    %dma_start3A_31 = tpu.memref_slice %arg5[%dma_start3A_30] : memref<10000000xf32, #tpu.memory_space<hbm>> -> memref<10000000xf32, #tpu.memory_space<hbm>>
    tpu.enqueue_indirect_dma source(%dma_start3A_31 : memref<10000000xf32, #tpu.memory_space<hbm>>) target(%arg14 : memref<8192xf32, #tpu.memory_space<vmem>>) offsets(%arg11 : memref<8192xi32, #tpu.memory_space<vmem>>) semaphore(%arg23 : memref<!tpu.dma_semaphore, #tpu.memory_space<semaphore_mem>>)
    %dma_wait3A_32 = tpu.memref_slice %arg2[%add3A_4] : memref<1048576xf32, #tpu.memory_space<hbm>> -> memref<8192xf32, #tpu.memory_space<hbm>>
    %dma_wait3A_33 = tpu.memref_slice %arg2[%add3A_4] : memref<1048576xf32, #tpu.memory_space<hbm>> -> memref<8192xf32, #tpu.memory_space<hbm>>
    tpu.wait_dma2 semaphore(%arg17 : memref<!tpu.dma_semaphore, #tpu.memory_space<semaphore_mem>>) src(%dma_wait3A_33 : memref<8192xf32, #tpu.memory_space<hbm>>) dst(%arg8 : memref<8192xf32, #tpu.memory_space<vmem>>)
    %dma_wait3A_34 = arith.constant 0 : i32
    %dma_wait3A_35 = tpu.memref_slice %arg4[%dma_wait3A_34] : memref<10000000xf32, #tpu.memory_space<hbm>> -> memref<10000000xf32, #tpu.memory_space<hbm>>
    tpu.wait_indirect_dma semaphore(%arg18 : memref<!tpu.dma_semaphore, #tpu.memory_space<semaphore_mem>>) src(%dma_wait3A_35 : memref<10000000xf32, #tpu.memory_space<hbm>>) dst(%arg9 : memref<8192xf32, #tpu.memory_space<vmem>>)
    %dma_wait3A_36 = arith.constant 0 : i32
    %dma_wait3A_37 = tpu.memref_slice %arg5[%dma_wait3A_36] : memref<10000000xf32, #tpu.memory_space<hbm>> -> memref<10000000xf32, #tpu.memory_space<hbm>>
    tpu.wait_indirect_dma semaphore(%arg19 : memref<!tpu.dma_semaphore, #tpu.memory_space<semaphore_mem>>) src(%dma_wait3A_37 : memref<10000000xf32, #tpu.memory_space<hbm>>) dst(%arg10 : memref<8192xf32, #tpu.memory_space<vmem>>)
    %scan3A = arith.constant 0 : i32
    %scan3A_38 = arith.constant 128 : i32
    %scan3A_39 = arith.addi %scan3A, %scan3A_38 : i32
    %scan3A_40 = arith.constant 1 : i32
    %scan3A_41:4 = scf.for %scan3A_111 = %scan3A to %scan3A_39 step %scan3A_40 iter_args(%scan3A_112 = %broadcast_in_dim3A_13, %scan3A_113 = %broadcast_in_dim3A_15, %scan3A_114 = %broadcast_in_dim3A_17, %scan3A_115 = %broadcast_in_dim3A_19) -> (vector<16xf32>, vector<16xf32>, vector<16xf32>, vector<16xf32>)  : i32 {
      %mul3A_116 = arith.constant 4 : i32
      %mul3A_117 = arith.muli %scan3A_111, %mul3A_116 : i32
      %add3A_118 = arith.constant 0 : i32
      %add3A_119 = arith.addi %mul3A_117, %add3A_118 : i32
      %mul3A_120 = arith.constant 16 : i32
      %mul3A_121 = arith.muli %add3A_119, %mul3A_120 : i32
      %get3A = arith.index_cast %mul3A_121 : i32 to index
      %get3A_122 = tpu.vector_load %arg8[%get3A] {strides = array<i32>} : memref<8192xf32, #tpu.memory_space<vmem>>, vector<16xf32>,
      %get3A_123 = vector.shape_cast %get3A_122 : vector<16xf32> to vector<16xf32>
      %get3A_124 = arith.index_cast %mul3A_121 : i32 to index
      %get3A_125 = tpu.vector_load %arg9[%get3A_124] {strides = array<i32>} : memref<8192xf32, #tpu.memory_space<vmem>>, vector<16xf32>,
      %get3A_126 = vector.shape_cast %get3A_125 : vector<16xf32> to vector<16xf32>
      %get3A_127 = arith.index_cast %mul3A_121 : i32 to index
      %get3A_128 = tpu.vector_load %arg10[%get3A_127] {strides = array<i32>} : memref<8192xf32, #tpu.memory_space<vmem>>, vector<16xf32>,
      %get3A_129 = vector.shape_cast %get3A_128 : vector<16xf32> to vector<16xf32>
      %mul3A_130 = arith.constant 5.000000e-01 : f32
      %mul3A_131 = vector.broadcast %mul3A_130 : f32 to vector<16xf32>
      %mul3A_132 = arith.mulf %mul3A_131, %get3A_129 : vector<16xf32>
      %mul3A_133 = arith.mulf %mul3A_132, %get3A_123 : vector<16xf32>
      %add3A_134 = arith.addf %get3A_126, %mul3A_133 : vector<16xf32>
      %mul3A_135 = arith.mulf %get3A_123, %add3A_134 : vector<16xf32>
      %add3A_136 = arith.addf %scan3A_112, %mul3A_135 : vector<16xf32>
      %mul3A_137 = arith.constant 4 : i32
      %mul3A_138 = arith.muli %scan3A_111, %mul3A_137 : i32
      %add3A_139 = arith.constant 1 : i32
      %add3A_140 = arith.addi %mul3A_138, %add3A_139 : i32
      %mul3A_141 = arith.constant 16 : i32
      %mul3A_142 = arith.muli %add3A_140, %mul3A_141 : i32
      %get3A_143 = arith.index_cast %mul3A_142 : i32 to index
      %get3A_144 = tpu.vector_load %arg8[%get3A_143] {strides = array<i32>} : memref<8192xf32, #tpu.memory_space<vmem>>, vector<16xf32>,
      %get3A_145 = vector.shape_cast %get3A_144 : vector<16xf32> to vector<16xf32>
      %get3A_146 = arith.index_cast %mul3A_142 : i32 to index
      %get3A_147 = tpu.vector_load %arg9[%get3A_146] {strides = array<i32>} : memref<8192xf32, #tpu.memory_space<vmem>>, vector<16xf32>,
      %get3A_148 = vector.shape_cast %get3A_147 : vector<16xf32> to vector<16xf32>
      %get3A_149 = arith.index_cast %mul3A_142 : i32 to index
      %get3A_150 = tpu.vector_load %arg10[%get3A_149] {strides = array<i32>} : memref<8192xf32, #tpu.memory_space<vmem>>, vector<16xf32>,
      %get3A_151 = vector.shape_cast %get3A_150 : vector<16xf32> to vector<16xf32>
      %mul3A_152 = arith.constant 5.000000e-01 : f32
      %mul3A_153 = vector.broadcast %mul3A_152 : f32 to vector<16xf32>
      %mul3A_154 = arith.mulf %mul3A_153, %get3A_151 : vector<16xf32>
      %mul3A_155 = arith.mulf %mul3A_154, %get3A_145 : vector<16xf32>
      %add3A_156 = arith.addf %get3A_148, %mul3A_155 : vector<16xf32>
      %mul3A_157 = arith.mulf %get3A_145, %add3A_156 : vector<16xf32>
      %add3A_158 = arith.addf %scan3A_113, %mul3A_157 : vector<16xf32>
      %mul3A_159 = arith.constant 4 : i32
      %mul3A_160 = arith.muli %scan3A_111, %mul3A_159 : i32
      %add3A_161 = arith.constant 2 : i32
      %add3A_162 = arith.addi %mul3A_160, %add3A_161 : i32
      %mul3A_163 = arith.constant 16 : i32
      %mul3A_164 = arith.muli %add3A_162, %mul3A_163 : i32
      %get3A_165 = arith.index_cast %mul3A_164 : i32 to index
      %get3A_166 = tpu.vector_load %arg8[%get3A_165] {strides = array<i32>} : memref<8192xf32, #tpu.memory_space<vmem>>, vector<16xf32>,
      %get3A_167 = vector.shape_cast %get3A_166 : vector<16xf32> to vector<16xf32>
      %get3A_168 = arith.index_cast %mul3A_164 : i32 to index
      %get3A_169 = tpu.vector_load %arg9[%get3A_168] {strides = array<i32>} : memref<8192xf32, #tpu.memory_space<vmem>>, vector<16xf32>,
      %get3A_170 = vector.shape_cast %get3A_169 : vector<16xf32> to vector<16xf32>
      %get3A_171 = arith.index_cast %mul3A_164 : i32 to index
      %get3A_172 = tpu.vector_load %arg10[%get3A_171] {strides = array<i32>} : memref<8192xf32, #tpu.memory_space<vmem>>, vector<16xf32>,
      %get3A_173 = vector.shape_cast %get3A_172 : vector<16xf32> to vector<16xf32>
      %mul3A_174 = arith.constant 5.000000e-01 : f32
      %mul3A_175 = vector.broadcast %mul3A_174 : f32 to vector<16xf32>
      %mul3A_176 = arith.mulf %mul3A_175, %get3A_173 : vector<16xf32>
      %mul3A_177 = arith.mulf %mul3A_176, %get3A_167 : vector<16xf32>
      %add3A_178 = arith.addf %get3A_170, %mul3A_177 : vector<16xf32>
      %mul3A_179 = arith.mulf %get3A_167, %add3A_178 : vector<16xf32>
      %add3A_180 = arith.addf %scan3A_114, %mul3A_179 : vector<16xf32>
      %mul3A_181 = arith.constant 4 : i32
      %mul3A_182 = arith.muli %scan3A_111, %mul3A_181 : i32
      %add3A_183 = arith.constant 3 : i32
      %add3A_184 = arith.addi %mul3A_182, %add3A_183 : i32
      %mul3A_185 = arith.constant 16 : i32
      %mul3A_186 = arith.muli %add3A_184, %mul3A_185 : i32
      %get3A_187 = arith.index_cast %mul3A_186 : i32 to index
      %get3A_188 = tpu.vector_load %arg8[%get3A_187] {strides = array<i32>} : memref<8192xf32, #tpu.memory_space<vmem>>, vector<16xf32>,
      %get3A_189 = vector.shape_cast %get3A_188 : vector<16xf32> to vector<16xf32>
      %get3A_190 = arith.index_cast %mul3A_186 : i32 to index
      %get3A_191 = tpu.vector_load %arg9[%get3A_190] {strides = array<i32>} : memref<8192xf32, #tpu.memory_space<vmem>>, vector<16xf32>,
      %get3A_192 = vector.shape_cast %get3A_191 : vector<16xf32> to vector<16xf32>
      %get3A_193 = arith.index_cast %mul3A_186 : i32 to index
      %get3A_194 = tpu.vector_load %arg10[%get3A_193] {strides = array<i32>} : memref<8192xf32, #tpu.memory_space<vmem>>, vector<16xf32>,
      %get3A_195 = vector.shape_cast %get3A_194 : vector<16xf32> to vector<16xf32>
      %mul3A_196 = arith.constant 5.000000e-01 : f32
      %mul3A_197 = vector.broadcast %mul3A_196 : f32 to vector<16xf32>
      %mul3A_198 = arith.mulf %mul3A_197, %get3A_195 : vector<16xf32>
      %mul3A_199 = arith.mulf %mul3A_198, %get3A_189 : vector<16xf32>
      %add3A_200 = arith.addf %get3A_192, %mul3A_199 : vector<16xf32>
      %mul3A_201 = arith.mulf %get3A_189, %add3A_200 : vector<16xf32>
      %add3A_202 = arith.addf %scan3A_115, %mul3A_201 : vector<16xf32>
      scf.yield %add3A_136, %add3A_158, %add3A_180, %add3A_202 : vector<16xf32>, vector<16xf32>, vector<16xf32>, vector<16xf32>
    }
    %scan3A_42 = arith.constant 128 : i32
    %add3A_43 = arith.constant 16384 : i32
    %add3A_44 = arith.addi %mul3A_2, %add3A_43 : i32
    %dma_start3A_45 = tpu.memref_slice %arg3[%add3A_44] : memref<1048576xi32, #tpu.memory_space<hbm>> -> memref<8192xi32, #tpu.memory_space<hbm>>
    %dma_start3A_46 = tpu.memref_slice %arg3[%add3A_44] : memref<1048576xi32, #tpu.memory_space<hbm>> -> memref<8192xi32, #tpu.memory_space<hbm>>
    tpu.enqueue_dma source(%dma_start3A_46 : memref<8192xi32, #tpu.memory_space<hbm>>) target(%arg7 : memref<8192xi32, #tpu.memory_space<vmem>>) target_semaphore(%arg16 : memref<!tpu.dma_semaphore, #tpu.memory_space<semaphore_mem>>)
    %dma_start3A_47 = tpu.memref_slice %arg2[%add3A_44] : memref<1048576xf32, #tpu.memory_space<hbm>> -> memref<8192xf32, #tpu.memory_space<hbm>>
    %dma_start3A_48 = tpu.memref_slice %arg2[%add3A_44] : memref<1048576xf32, #tpu.memory_space<hbm>> -> memref<8192xf32, #tpu.memory_space<hbm>>
    tpu.enqueue_dma source(%dma_start3A_48 : memref<8192xf32, #tpu.memory_space<hbm>>) target(%arg8 : memref<8192xf32, #tpu.memory_space<vmem>>) target_semaphore(%arg17 : memref<!tpu.dma_semaphore, #tpu.memory_space<semaphore_mem>>)
    %dma_wait3A_49 = tpu.memref_slice %arg3[%add3A_44] : memref<1048576xi32, #tpu.memory_space<hbm>> -> memref<8192xi32, #tpu.memory_space<hbm>>
    %dma_wait3A_50 = tpu.memref_slice %arg3[%add3A_44] : memref<1048576xi32, #tpu.memory_space<hbm>> -> memref<8192xi32, #tpu.memory_space<hbm>>
    tpu.wait_dma2 semaphore(%arg16 : memref<!tpu.dma_semaphore, #tpu.memory_space<semaphore_mem>>) src(%dma_wait3A_50 : memref<8192xi32, #tpu.memory_space<hbm>>) dst(%arg7 : memref<8192xi32, #tpu.memory_space<vmem>>)
    %dma_start3A_51 = arith.constant 0 : i32
    %dma_start3A_52 = tpu.memref_slice %arg4[%dma_start3A_51] : memref<10000000xf32, #tpu.memory_space<hbm>> -> memref<10000000xf32, #tpu.memory_space<hbm>>
    tpu.enqueue_indirect_dma source(%dma_start3A_52 : memref<10000000xf32, #tpu.memory_space<hbm>>) target(%arg9 : memref<8192xf32, #tpu.memory_space<vmem>>) offsets(%arg7 : memref<8192xi32, #tpu.memory_space<vmem>>) semaphore(%arg18 : memref<!tpu.dma_semaphore, #tpu.memory_space<semaphore_mem>>)
    %dma_start3A_53 = arith.constant 0 : i32
    %dma_start3A_54 = tpu.memref_slice %arg5[%dma_start3A_53] : memref<10000000xf32, #tpu.memory_space<hbm>> -> memref<10000000xf32, #tpu.memory_space<hbm>>
    tpu.enqueue_indirect_dma source(%dma_start3A_54 : memref<10000000xf32, #tpu.memory_space<hbm>>) target(%arg10 : memref<8192xf32, #tpu.memory_space<vmem>>) offsets(%arg7 : memref<8192xi32, #tpu.memory_space<vmem>>) semaphore(%arg19 : memref<!tpu.dma_semaphore, #tpu.memory_space<semaphore_mem>>)
    %dma_wait3A_55 = tpu.memref_slice %arg2[%add3A_21] : memref<1048576xf32, #tpu.memory_space<hbm>> -> memref<8192xf32, #tpu.memory_space<hbm>>
    %dma_wait3A_56 = tpu.memref_slice %arg2[%add3A_21] : memref<1048576xf32, #tpu.memory_space<hbm>> -> memref<8192xf32, #tpu.memory_space<hbm>>
    tpu.wait_dma2 semaphore(%arg21 : memref<!tpu.dma_semaphore, #tpu.memory_space<semaphore_mem>>) src(%dma_wait3A_56 : memref<8192xf32, #tpu.memory_space<hbm>>) dst(%arg12 : memref<8192xf32, #tpu.memory_space<vmem>>)
    %dma_wait3A_57 = arith.constant 0 : i32
    %dma_wait3A_58 = tpu.memref_slice %arg4[%dma_wait3A_57] : memref<10000000xf32, #tpu.memory_space<hbm>> -> memref<10000000xf32, #tpu.memory_space<hbm>>
    tpu.wait_indirect_dma semaphore(%arg22 : memref<!tpu.dma_semaphore, #tpu.memory_space<semaphore_mem>>) src(%dma_wait3A_58 : memref<10000000xf32, #tpu.memory_space<hbm>>) dst(%arg13 : memref<8192xf32, #tpu.memory_space<vmem>>)
    %dma_wait3A_59 = arith.constant 0 : i32
    %dma_wait3A_60 = tpu.memref_slice %arg5[%dma_wait3A_59] : memref<10000000xf32, #tpu.memory_space<hbm>> -> memref<10000000xf32, #tpu.memory_space<hbm>>
    tpu.wait_indirect_dma semaphore(%arg23 : memref<!tpu.dma_semaphore, #tpu.memory_space<semaphore_mem>>) src(%dma_wait3A_60 : memref<10000000xf32, #tpu.memory_space<hbm>>) dst(%arg14 : memref<8192xf32, #tpu.memory_space<vmem>>)
    %scan3A_61 = arith.constant 0 : i32
    %scan3A_62 = arith.constant 128 : i32
    %scan3A_63 = arith.addi %scan3A_61, %scan3A_62 : i32
    %scan3A_64 = arith.constant 1 : i32
    %scan3A_65:4 = scf.for %scan3A_111 = %scan3A_61 to %scan3A_63 step %scan3A_64 iter_args(%scan3A_112 = %scan3A_41#0, %scan3A_113 = %scan3A_41#1, %scan3A_114 = %scan3A_41#2, %scan3A_115 = %scan3A_41#3) -> (vector<16xf32>, vector<16xf32>, vector<16xf32>, vector<16xf32>)  : i32 {
      %mul3A_116 = arith.constant 4 : i32
      %mul3A_117 = arith.muli %scan3A_111, %mul3A_116 : i32
      %add3A_118 = arith.constant 0 : i32
      %add3A_119 = arith.addi %mul3A_117, %add3A_118 : i32
      %mul3A_120 = arith.constant 16 : i32
      %mul3A_121 = arith.muli %add3A_119, %mul3A_120 : i32
      %get3A = arith.index_cast %mul3A_121 : i32 to index
      %get3A_122 = tpu.vector_load %arg12[%get3A] {strides = array<i32>} : memref<8192xf32, #tpu.memory_space<vmem>>, vector<16xf32>,
      %get3A_123 = vector.shape_cast %get3A_122 : vector<16xf32> to vector<16xf32>
      %get3A_124 = arith.index_cast %mul3A_121 : i32 to index
      %get3A_125 = tpu.vector_load %arg13[%get3A_124] {strides = array<i32>} : memref<8192xf32, #tpu.memory_space<vmem>>, vector<16xf32>,
      %get3A_126 = vector.shape_cast %get3A_125 : vector<16xf32> to vector<16xf32>
      %get3A_127 = arith.index_cast %mul3A_121 : i32 to index
      %get3A_128 = tpu.vector_load %arg14[%get3A_127] {strides = array<i32>} : memref<8192xf32, #tpu.memory_space<vmem>>, vector<16xf32>,
      %get3A_129 = vector.shape_cast %get3A_128 : vector<16xf32> to vector<16xf32>
      %mul3A_130 = arith.constant 5.000000e-01 : f32
      %mul3A_131 = vector.broadcast %mul3A_130 : f32 to vector<16xf32>
      %mul3A_132 = arith.mulf %mul3A_131, %get3A_129 : vector<16xf32>
      %mul3A_133 = arith.mulf %mul3A_132, %get3A_123 : vector<16xf32>
      %add3A_134 = arith.addf %get3A_126, %mul3A_133 : vector<16xf32>
      %mul3A_135 = arith.mulf %get3A_123, %add3A_134 : vector<16xf32>
      %add3A_136 = arith.addf %scan3A_112, %mul3A_135 : vector<16xf32>
      %mul3A_137 = arith.constant 4 : i32
      %mul3A_138 = arith.muli %scan3A_111, %mul3A_137 : i32
      %add3A_139 = arith.constant 1 : i32
      %add3A_140 = arith.addi %mul3A_138, %add3A_139 : i32
      %mul3A_141 = arith.constant 16 : i32
      %mul3A_142 = arith.muli %add3A_140, %mul3A_141 : i32
      %get3A_143 = arith.index_cast %mul3A_142 : i32 to index
      %get3A_144 = tpu.vector_load %arg12[%get3A_143] {strides = array<i32>} : memref<8192xf32, #tpu.memory_space<vmem>>, vector<16xf32>,
      %get3A_145 = vector.shape_cast %get3A_144 : vector<16xf32> to vector<16xf32>
      %get3A_146 = arith.index_cast %mul3A_142 : i32 to index
      %get3A_147 = tpu.vector_load %arg13[%get3A_146] {strides = array<i32>} : memref<8192xf32, #tpu.memory_space<vmem>>, vector<16xf32>,
      %get3A_148 = vector.shape_cast %get3A_147 : vector<16xf32> to vector<16xf32>
      %get3A_149 = arith.index_cast %mul3A_142 : i32 to index
      %get3A_150 = tpu.vector_load %arg14[%get3A_149] {strides = array<i32>} : memref<8192xf32, #tpu.memory_space<vmem>>, vector<16xf32>,
      %get3A_151 = vector.shape_cast %get3A_150 : vector<16xf32> to vector<16xf32>
      %mul3A_152 = arith.constant 5.000000e-01 : f32
      %mul3A_153 = vector.broadcast %mul3A_152 : f32 to vector<16xf32>
      %mul3A_154 = arith.mulf %mul3A_153, %get3A_151 : vector<16xf32>
      %mul3A_155 = arith.mulf %mul3A_154, %get3A_145 : vector<16xf32>
      %add3A_156 = arith.addf %get3A_148, %mul3A_155 : vector<16xf32>
      %mul3A_157 = arith.mulf %get3A_145, %add3A_156 : vector<16xf32>
      %add3A_158 = arith.addf %scan3A_113, %mul3A_157 : vector<16xf32>
      %mul3A_159 = arith.constant 4 : i32
      %mul3A_160 = arith.muli %scan3A_111, %mul3A_159 : i32
      %add3A_161 = arith.constant 2 : i32
      %add3A_162 = arith.addi %mul3A_160, %add3A_161 : i32
      %mul3A_163 = arith.constant 16 : i32
      %mul3A_164 = arith.muli %add3A_162, %mul3A_163 : i32
      %get3A_165 = arith.index_cast %mul3A_164 : i32 to index
      %get3A_166 = tpu.vector_load %arg12[%get3A_165] {strides = array<i32>} : memref<8192xf32, #tpu.memory_space<vmem>>, vector<16xf32>,
      %get3A_167 = vector.shape_cast %get3A_166 : vector<16xf32> to vector<16xf32>
      %get3A_168 = arith.index_cast %mul3A_164 : i32 to index
      %get3A_169 = tpu.vector_load %arg13[%get3A_168] {strides = array<i32>} : memref<8192xf32, #tpu.memory_space<vmem>>, vector<16xf32>,
      %get3A_170 = vector.shape_cast %get3A_169 : vector<16xf32> to vector<16xf32>
      %get3A_171 = arith.index_cast %mul3A_164 : i32 to index
      %get3A_172 = tpu.vector_load %arg14[%get3A_171] {strides = array<i32>} : memref<8192xf32, #tpu.memory_space<vmem>>, vector<16xf32>,
      %get3A_173 = vector.shape_cast %get3A_172 : vector<16xf32> to vector<16xf32>
      %mul3A_174 = arith.constant 5.000000e-01 : f32
      %mul3A_175 = vector.broadcast %mul3A_174 : f32 to vector<16xf32>
      %mul3A_176 = arith.mulf %mul3A_175, %get3A_173 : vector<16xf32>
      %mul3A_177 = arith.mulf %mul3A_176, %get3A_167 : vector<16xf32>
      %add3A_178 = arith.addf %get3A_170, %mul3A_177 : vector<16xf32>
      %mul3A_179 = arith.mulf %get3A_167, %add3A_178 : vector<16xf32>
      %add3A_180 = arith.addf %scan3A_114, %mul3A_179 : vector<16xf32>
      %mul3A_181 = arith.constant 4 : i32
      %mul3A_182 = arith.muli %scan3A_111, %mul3A_181 : i32
      %add3A_183 = arith.constant 3 : i32
      %add3A_184 = arith.addi %mul3A_182, %add3A_183 : i32
      %mul3A_185 = arith.constant 16 : i32
      %mul3A_186 = arith.muli %add3A_184, %mul3A_185 : i32
      %get3A_187 = arith.index_cast %mul3A_186 : i32 to index
      %get3A_188 = tpu.vector_load %arg12[%get3A_187] {strides = array<i32>} : memref<8192xf32, #tpu.memory_space<vmem>>, vector<16xf32>,
      %get3A_189 = vector.shape_cast %get3A_188 : vector<16xf32> to vector<16xf32>
      %get3A_190 = arith.index_cast %mul3A_186 : i32 to index
      %get3A_191 = tpu.vector_load %arg13[%get3A_190] {strides = array<i32>} : memref<8192xf32, #tpu.memory_space<vmem>>, vector<16xf32>,
      %get3A_192 = vector.shape_cast %get3A_191 : vector<16xf32> to vector<16xf32>
      %get3A_193 = arith.index_cast %mul3A_186 : i32 to index
      %get3A_194 = tpu.vector_load %arg14[%get3A_193] {strides = array<i32>} : memref<8192xf32, #tpu.memory_space<vmem>>, vector<16xf32>,
      %get3A_195 = vector.shape_cast %get3A_194 : vector<16xf32> to vector<16xf32>
      %mul3A_196 = arith.constant 5.000000e-01 : f32
      %mul3A_197 = vector.broadcast %mul3A_196 : f32 to vector<16xf32>
      %mul3A_198 = arith.mulf %mul3A_197, %get3A_195 : vector<16xf32>
      %mul3A_199 = arith.mulf %mul3A_198, %get3A_189 : vector<16xf32>
      %add3A_200 = arith.addf %get3A_192, %mul3A_199 : vector<16xf32>
      %mul3A_201 = arith.mulf %get3A_189, %add3A_200 : vector<16xf32>
      %add3A_202 = arith.addf %scan3A_115, %mul3A_201 : vector<16xf32>
      scf.yield %add3A_136, %add3A_158, %add3A_180, %add3A_202 : vector<16xf32>, vector<16xf32>, vector<16xf32>, vector<16xf32>
    }
    %scan3A_66 = arith.constant 128 : i32
    %add3A_67 = arith.constant 24576 : i32
    %add3A_68 = arith.addi %mul3A_2, %add3A_67 : i32
    %dma_start3A_69 = tpu.memref_slice %arg3[%add3A_68] : memref<1048576xi32, #tpu.memory_space<hbm>> -> memref<8192xi32, #tpu.memory_space<hbm>>
    %dma_start3A_70 = tpu.memref_slice %arg3[%add3A_68] : memref<1048576xi32, #tpu.memory_space<hbm>> -> memref<8192xi32, #tpu.memory_space<hbm>>
    tpu.enqueue_dma source(%dma_start3A_70 : memref<8192xi32, #tpu.memory_space<hbm>>) target(%arg11 : memref<8192xi32, #tpu.memory_space<vmem>>) target_semaphore(%arg20 : memref<!tpu.dma_semaphore, #tpu.memory_space<semaphore_mem>>)
    %dma_start3A_71 = tpu.memref_slice %arg2[%add3A_68] : memref<1048576xf32, #tpu.memory_space<hbm>> -> memref<8192xf32, #tpu.memory_space<hbm>>
    %dma_start3A_72 = tpu.memref_slice %arg2[%add3A_68] : memref<1048576xf32, #tpu.memory_space<hbm>> -> memref<8192xf32, #tpu.memory_space<hbm>>
    tpu.enqueue_dma source(%dma_start3A_72 : memref<8192xf32, #tpu.memory_space<hbm>>) target(%arg12 : memref<8192xf32, #tpu.memory_space<vmem>>) target_semaphore(%arg21 : memref<!tpu.dma_semaphore, #tpu.memory_space<semaphore_mem>>)
    %dma_wait3A_73 = tpu.memref_slice %arg3[%add3A_68] : memref<1048576xi32, #tpu.memory_space<hbm>> -> memref<8192xi32, #tpu.memory_space<hbm>>
    %dma_wait3A_74 = tpu.memref_slice %arg3[%add3A_68] : memref<1048576xi32, #tpu.memory_space<hbm>> -> memref<8192xi32, #tpu.memory_space<hbm>>
    tpu.wait_dma2 semaphore(%arg20 : memref<!tpu.dma_semaphore, #tpu.memory_space<semaphore_mem>>) src(%dma_wait3A_74 : memref<8192xi32, #tpu.memory_space<hbm>>) dst(%arg11 : memref<8192xi32, #tpu.memory_space<vmem>>)
    %dma_start3A_75 = arith.constant 0 : i32
    %dma_start3A_76 = tpu.memref_slice %arg4[%dma_start3A_75] : memref<10000000xf32, #tpu.memory_space<hbm>> -> memref<10000000xf32, #tpu.memory_space<hbm>>
    tpu.enqueue_indirect_dma source(%dma_start3A_76 : memref<10000000xf32, #tpu.memory_space<hbm>>) target(%arg13 : memref<8192xf32, #tpu.memory_space<vmem>>) offsets(%arg11 : memref<8192xi32, #tpu.memory_space<vmem>>) semaphore(%arg22 : memref<!tpu.dma_semaphore, #tpu.memory_space<semaphore_mem>>)
    %dma_start3A_77 = arith.constant 0 : i32
    %dma_start3A_78 = tpu.memref_slice %arg5[%dma_start3A_77] : memref<10000000xf32, #tpu.memory_space<hbm>> -> memref<10000000xf32, #tpu.memory_space<hbm>>
    tpu.enqueue_indirect_dma source(%dma_start3A_78 : memref<10000000xf32, #tpu.memory_space<hbm>>) target(%arg14 : memref<8192xf32, #tpu.memory_space<vmem>>) offsets(%arg11 : memref<8192xi32, #tpu.memory_space<vmem>>) semaphore(%arg23 : memref<!tpu.dma_semaphore, #tpu.memory_space<semaphore_mem>>)
    %dma_wait3A_79 = tpu.memref_slice %arg2[%add3A_44] : memref<1048576xf32, #tpu.memory_space<hbm>> -> memref<8192xf32, #tpu.memory_space<hbm>>
    %dma_wait3A_80 = tpu.memref_slice %arg2[%add3A_44] : memref<1048576xf32, #tpu.memory_space<hbm>> -> memref<8192xf32, #tpu.memory_space<hbm>>
    tpu.wait_dma2 semaphore(%arg17 : memref<!tpu.dma_semaphore, #tpu.memory_space<semaphore_mem>>) src(%dma_wait3A_80 : memref<8192xf32, #tpu.memory_space<hbm>>) dst(%arg8 : memref<8192xf32, #tpu.memory_space<vmem>>)
    %dma_wait3A_81 = arith.constant 0 : i32
    %dma_wait3A_82 = tpu.memref_slice %arg4[%dma_wait3A_81] : memref<10000000xf32, #tpu.memory_space<hbm>> -> memref<10000000xf32, #tpu.memory_space<hbm>>
    tpu.wait_indirect_dma semaphore(%arg18 : memref<!tpu.dma_semaphore, #tpu.memory_space<semaphore_mem>>) src(%dma_wait3A_82 : memref<10000000xf32, #tpu.memory_space<hbm>>) dst(%arg9 : memref<8192xf32, #tpu.memory_space<vmem>>)
    %dma_wait3A_83 = arith.constant 0 : i32
    %dma_wait3A_84 = tpu.memref_slice %arg5[%dma_wait3A_83] : memref<10000000xf32, #tpu.memory_space<hbm>> -> memref<10000000xf32, #tpu.memory_space<hbm>>
    tpu.wait_indirect_dma semaphore(%arg19 : memref<!tpu.dma_semaphore, #tpu.memory_space<semaphore_mem>>) src(%dma_wait3A_84 : memref<10000000xf32, #tpu.memory_space<hbm>>) dst(%arg10 : memref<8192xf32, #tpu.memory_space<vmem>>)
    %scan3A_85 = arith.constant 0 : i32
    %scan3A_86 = arith.constant 128 : i32
    %scan3A_87 = arith.addi %scan3A_85, %scan3A_86 : i32
    %scan3A_88 = arith.constant 1 : i32
    %scan3A_89:4 = scf.for %scan3A_111 = %scan3A_85 to %scan3A_87 step %scan3A_88 iter_args(%scan3A_112 = %scan3A_65#0, %scan3A_113 = %scan3A_65#1, %scan3A_114 = %scan3A_65#2, %scan3A_115 = %scan3A_65#3) -> (vector<16xf32>, vector<16xf32>, vector<16xf32>, vector<16xf32>)  : i32 {
      %mul3A_116 = arith.constant 4 : i32
      %mul3A_117 = arith.muli %scan3A_111, %mul3A_116 : i32
      %add3A_118 = arith.constant 0 : i32
      %add3A_119 = arith.addi %mul3A_117, %add3A_118 : i32
      %mul3A_120 = arith.constant 16 : i32
      %mul3A_121 = arith.muli %add3A_119, %mul3A_120 : i32
      %get3A = arith.index_cast %mul3A_121 : i32 to index
      %get3A_122 = tpu.vector_load %arg8[%get3A] {strides = array<i32>} : memref<8192xf32, #tpu.memory_space<vmem>>, vector<16xf32>,
      %get3A_123 = vector.shape_cast %get3A_122 : vector<16xf32> to vector<16xf32>
      %get3A_124 = arith.index_cast %mul3A_121 : i32 to index
      %get3A_125 = tpu.vector_load %arg9[%get3A_124] {strides = array<i32>} : memref<8192xf32, #tpu.memory_space<vmem>>, vector<16xf32>,
      %get3A_126 = vector.shape_cast %get3A_125 : vector<16xf32> to vector<16xf32>
      %get3A_127 = arith.index_cast %mul3A_121 : i32 to index
      %get3A_128 = tpu.vector_load %arg10[%get3A_127] {strides = array<i32>} : memref<8192xf32, #tpu.memory_space<vmem>>, vector<16xf32>,
      %get3A_129 = vector.shape_cast %get3A_128 : vector<16xf32> to vector<16xf32>
      %mul3A_130 = arith.constant 5.000000e-01 : f32
      %mul3A_131 = vector.broadcast %mul3A_130 : f32 to vector<16xf32>
      %mul3A_132 = arith.mulf %mul3A_131, %get3A_129 : vector<16xf32>
      %mul3A_133 = arith.mulf %mul3A_132, %get3A_123 : vector<16xf32>
      %add3A_134 = arith.addf %get3A_126, %mul3A_133 : vector<16xf32>
      %mul3A_135 = arith.mulf %get3A_123, %add3A_134 : vector<16xf32>
      %add3A_136 = arith.addf %scan3A_112, %mul3A_135 : vector<16xf32>
      %mul3A_137 = arith.constant 4 : i32
      %mul3A_138 = arith.muli %scan3A_111, %mul3A_137 : i32
      %add3A_139 = arith.constant 1 : i32
      %add3A_140 = arith.addi %mul3A_138, %add3A_139 : i32
      %mul3A_141 = arith.constant 16 : i32
      %mul3A_142 = arith.muli %add3A_140, %mul3A_141 : i32
      %get3A_143 = arith.index_cast %mul3A_142 : i32 to index
      %get3A_144 = tpu.vector_load %arg8[%get3A_143] {strides = array<i32>} : memref<8192xf32, #tpu.memory_space<vmem>>, vector<16xf32>,
      %get3A_145 = vector.shape_cast %get3A_144 : vector<16xf32> to vector<16xf32>
      %get3A_146 = arith.index_cast %mul3A_142 : i32 to index
      %get3A_147 = tpu.vector_load %arg9[%get3A_146] {strides = array<i32>} : memref<8192xf32, #tpu.memory_space<vmem>>, vector<16xf32>,
      %get3A_148 = vector.shape_cast %get3A_147 : vector<16xf32> to vector<16xf32>
      %get3A_149 = arith.index_cast %mul3A_142 : i32 to index
      %get3A_150 = tpu.vector_load %arg10[%get3A_149] {strides = array<i32>} : memref<8192xf32, #tpu.memory_space<vmem>>, vector<16xf32>,
      %get3A_151 = vector.shape_cast %get3A_150 : vector<16xf32> to vector<16xf32>
      %mul3A_152 = arith.constant 5.000000e-01 : f32
      %mul3A_153 = vector.broadcast %mul3A_152 : f32 to vector<16xf32>
      %mul3A_154 = arith.mulf %mul3A_153, %get3A_151 : vector<16xf32>
      %mul3A_155 = arith.mulf %mul3A_154, %get3A_145 : vector<16xf32>
      %add3A_156 = arith.addf %get3A_148, %mul3A_155 : vector<16xf32>
      %mul3A_157 = arith.mulf %get3A_145, %add3A_156 : vector<16xf32>
      %add3A_158 = arith.addf %scan3A_113, %mul3A_157 : vector<16xf32>
      %mul3A_159 = arith.constant 4 : i32
      %mul3A_160 = arith.muli %scan3A_111, %mul3A_159 : i32
      %add3A_161 = arith.constant 2 : i32
      %add3A_162 = arith.addi %mul3A_160, %add3A_161 : i32
      %mul3A_163 = arith.constant 16 : i32
      %mul3A_164 = arith.muli %add3A_162, %mul3A_163 : i32
      %get3A_165 = arith.index_cast %mul3A_164 : i32 to index
      %get3A_166 = tpu.vector_load %arg8[%get3A_165] {strides = array<i32>} : memref<8192xf32, #tpu.memory_space<vmem>>, vector<16xf32>,
      %get3A_167 = vector.shape_cast %get3A_166 : vector<16xf32> to vector<16xf32>
      %get3A_168 = arith.index_cast %mul3A_164 : i32 to index
      %get3A_169 = tpu.vector_load %arg9[%get3A_168] {strides = array<i32>} : memref<8192xf32, #tpu.memory_space<vmem>>, vector<16xf32>,
      %get3A_170 = vector.shape_cast %get3A_169 : vector<16xf32> to vector<16xf32>
      %get3A_171 = arith.index_cast %mul3A_164 : i32 to index
      %get3A_172 = tpu.vector_load %arg10[%get3A_171] {strides = array<i32>} : memref<8192xf32, #tpu.memory_space<vmem>>, vector<16xf32>,
      %get3A_173 = vector.shape_cast %get3A_172 : vector<16xf32> to vector<16xf32>
      %mul3A_174 = arith.constant 5.000000e-01 : f32
      %mul3A_175 = vector.broadcast %mul3A_174 : f32 to vector<16xf32>
      %mul3A_176 = arith.mulf %mul3A_175, %get3A_173 : vector<16xf32>
      %mul3A_177 = arith.mulf %mul3A_176, %get3A_167 : vector<16xf32>
      %add3A_178 = arith.addf %get3A_170, %mul3A_177 : vector<16xf32>
      %mul3A_179 = arith.mulf %get3A_167, %add3A_178 : vector<16xf32>
      %add3A_180 = arith.addf %scan3A_114, %mul3A_179 : vector<16xf32>
      %mul3A_181 = arith.constant 4 : i32
      %mul3A_182 = arith.muli %scan3A_111, %mul3A_181 : i32
      %add3A_183 = arith.constant 3 : i32
      %add3A_184 = arith.addi %mul3A_182, %add3A_183 : i32
      %mul3A_185 = arith.constant 16 : i32
      %mul3A_186 = arith.muli %add3A_184, %mul3A_185 : i32
      %get3A_187 = arith.index_cast %mul3A_186 : i32 to index
      %get3A_188 = tpu.vector_load %arg8[%get3A_187] {strides = array<i32>} : memref<8192xf32, #tpu.memory_space<vmem>>, vector<16xf32>,
      %get3A_189 = vector.shape_cast %get3A_188 : vector<16xf32> to vector<16xf32>
      %get3A_190 = arith.index_cast %mul3A_186 : i32 to index
      %get3A_191 = tpu.vector_load %arg9[%get3A_190] {strides = array<i32>} : memref<8192xf32, #tpu.memory_space<vmem>>, vector<16xf32>,
      %get3A_192 = vector.shape_cast %get3A_191 : vector<16xf32> to vector<16xf32>
      %get3A_193 = arith.index_cast %mul3A_186 : i32 to index
      %get3A_194 = tpu.vector_load %arg10[%get3A_193] {strides = array<i32>} : memref<8192xf32, #tpu.memory_space<vmem>>, vector<16xf32>,
      %get3A_195 = vector.shape_cast %get3A_194 : vector<16xf32> to vector<16xf32>
      %mul3A_196 = arith.constant 5.000000e-01 : f32
      %mul3A_197 = vector.broadcast %mul3A_196 : f32 to vector<16xf32>
      %mul3A_198 = arith.mulf %mul3A_197, %get3A_195 : vector<16xf32>
      %mul3A_199 = arith.mulf %mul3A_198, %get3A_189 : vector<16xf32>
      %add3A_200 = arith.addf %get3A_192, %mul3A_199 : vector<16xf32>
      %mul3A_201 = arith.mulf %get3A_189, %add3A_200 : vector<16xf32>
      %add3A_202 = arith.addf %scan3A_115, %mul3A_201 : vector<16xf32>
      scf.yield %add3A_136, %add3A_158, %add3A_180, %add3A_202 : vector<16xf32>, vector<16xf32>, vector<16xf32>, vector<16xf32>
    }
    %scan3A_90 = arith.constant 128 : i32
    %dma_wait3A_91 = tpu.memref_slice %arg2[%add3A_68] : memref<1048576xf32, #tpu.memory_space<hbm>> -> memref<8192xf32, #tpu.memory_space<hbm>>
    %dma_wait3A_92 = tpu.memref_slice %arg2[%add3A_68] : memref<1048576xf32, #tpu.memory_space<hbm>> -> memref<8192xf32, #tpu.memory_space<hbm>>
    tpu.wait_dma2 semaphore(%arg21 : memref<!tpu.dma_semaphore, #tpu.memory_space<semaphore_mem>>) src(%dma_wait3A_92 : memref<8192xf32, #tpu.memory_space<hbm>>) dst(%arg12 : memref<8192xf32, #tpu.memory_space<vmem>>)
    %dma_wait3A_93 = arith.constant 0 : i32
    %dma_wait3A_94 = tpu.memref_slice %arg4[%dma_wait3A_93] : memref<10000000xf32, #tpu.memory_space<hbm>> -> memref<10000000xf32, #tpu.memory_space<hbm>>
    tpu.wait_indirect_dma semaphore(%arg22 : memref<!tpu.dma_semaphore, #tpu.memory_space<semaphore_mem>>) src(%dma_wait3A_94 : memref<10000000xf32, #tpu.memory_space<hbm>>) dst(%arg13 : memref<8192xf32, #tpu.memory_space<vmem>>)
    %dma_wait3A_95 = arith.constant 0 : i32
    %dma_wait3A_96 = tpu.memref_slice %arg5[%dma_wait3A_95] : memref<10000000xf32, #tpu.memory_space<hbm>> -> memref<10000000xf32, #tpu.memory_space<hbm>>
    tpu.wait_indirect_dma semaphore(%arg23 : memref<!tpu.dma_semaphore, #tpu.memory_space<semaphore_mem>>) src(%dma_wait3A_96 : memref<10000000xf32, #tpu.memory_space<hbm>>) dst(%arg14 : memref<8192xf32, #tpu.memory_space<vmem>>)
    %scan3A_97 = arith.constant 0 : i32
    %scan3A_98 = arith.constant 128 : i32
    %scan3A_99 = arith.addi %scan3A_97, %scan3A_98 : i32
    %scan3A_100 = arith.constant 1 : i32
    %scan3A_101:4 = scf.for %scan3A_111 = %scan3A_97 to %scan3A_99 step %scan3A_100 iter_args(%scan3A_112 = %scan3A_89#0, %scan3A_113 = %scan3A_89#1, %scan3A_114 = %scan3A_89#2, %scan3A_115 = %scan3A_89#3) -> (vector<16xf32>, vector<16xf32>, vector<16xf32>, vector<16xf32>)  : i32 {
      %mul3A_116 = arith.constant 4 : i32
      %mul3A_117 = arith.muli %scan3A_111, %mul3A_116 : i32
      %add3A_118 = arith.constant 0 : i32
      %add3A_119 = arith.addi %mul3A_117, %add3A_118 : i32
      %mul3A_120 = arith.constant 16 : i32
      %mul3A_121 = arith.muli %add3A_119, %mul3A_120 : i32
      %get3A = arith.index_cast %mul3A_121 : i32 to index
      %get3A_122 = tpu.vector_load %arg12[%get3A] {strides = array<i32>} : memref<8192xf32, #tpu.memory_space<vmem>>, vector<16xf32>,
      %get3A_123 = vector.shape_cast %get3A_122 : vector<16xf32> to vector<16xf32>
      %get3A_124 = arith.index_cast %mul3A_121 : i32 to index
      %get3A_125 = tpu.vector_load %arg13[%get3A_124] {strides = array<i32>} : memref<8192xf32, #tpu.memory_space<vmem>>, vector<16xf32>,
      %get3A_126 = vector.shape_cast %get3A_125 : vector<16xf32> to vector<16xf32>
      %get3A_127 = arith.index_cast %mul3A_121 : i32 to index
      %get3A_128 = tpu.vector_load %arg14[%get3A_127] {strides = array<i32>} : memref<8192xf32, #tpu.memory_space<vmem>>, vector<16xf32>,
      %get3A_129 = vector.shape_cast %get3A_128 : vector<16xf32> to vector<16xf32>
      %mul3A_130 = arith.constant 5.000000e-01 : f32
      %mul3A_131 = vector.broadcast %mul3A_130 : f32 to vector<16xf32>
      %mul3A_132 = arith.mulf %mul3A_131, %get3A_129 : vector<16xf32>
      %mul3A_133 = arith.mulf %mul3A_132, %get3A_123 : vector<16xf32>
      %add3A_134 = arith.addf %get3A_126, %mul3A_133 : vector<16xf32>
      %mul3A_135 = arith.mulf %get3A_123, %add3A_134 : vector<16xf32>
      %add3A_136 = arith.addf %scan3A_112, %mul3A_135 : vector<16xf32>
      %mul3A_137 = arith.constant 4 : i32
      %mul3A_138 = arith.muli %scan3A_111, %mul3A_137 : i32
      %add3A_139 = arith.constant 1 : i32
      %add3A_140 = arith.addi %mul3A_138, %add3A_139 : i32
      %mul3A_141 = arith.constant 16 : i32
      %mul3A_142 = arith.muli %add3A_140, %mul3A_141 : i32
      %get3A_143 = arith.index_cast %mul3A_142 : i32 to index
      %get3A_144 = tpu.vector_load %arg12[%get3A_143] {strides = array<i32>} : memref<8192xf32, #tpu.memory_space<vmem>>, vector<16xf32>,
      %get3A_145 = vector.shape_cast %get3A_144 : vector<16xf32> to vector<16xf32>
      %get3A_146 = arith.index_cast %mul3A_142 : i32 to index
      %get3A_147 = tpu.vector_load %arg13[%get3A_146] {strides = array<i32>} : memref<8192xf32, #tpu.memory_space<vmem>>, vector<16xf32>,
      %get3A_148 = vector.shape_cast %get3A_147 : vector<16xf32> to vector<16xf32>
      %get3A_149 = arith.index_cast %mul3A_142 : i32 to index
      %get3A_150 = tpu.vector_load %arg14[%get3A_149] {strides = array<i32>} : memref<8192xf32, #tpu.memory_space<vmem>>, vector<16xf32>,
      %get3A_151 = vector.shape_cast %get3A_150 : vector<16xf32> to vector<16xf32>
      %mul3A_152 = arith.constant 5.000000e-01 : f32
      %mul3A_153 = vector.broadcast %mul3A_152 : f32 to vector<16xf32>
      %mul3A_154 = arith.mulf %mul3A_153, %get3A_151 : vector<16xf32>
      %mul3A_155 = arith.mulf %mul3A_154, %get3A_145 : vector<16xf32>
      %add3A_156 = arith.addf %get3A_148, %mul3A_155 : vector<16xf32>
      %mul3A_157 = arith.mulf %get3A_145, %add3A_156 : vector<16xf32>
      %add3A_158 = arith.addf %scan3A_113, %mul3A_157 : vector<16xf32>
      %mul3A_159 = arith.constant 4 : i32
      %mul3A_160 = arith.muli %scan3A_111, %mul3A_159 : i32
      %add3A_161 = arith.constant 2 : i32
      %add3A_162 = arith.addi %mul3A_160, %add3A_161 : i32
      %mul3A_163 = arith.constant 16 : i32
      %mul3A_164 = arith.muli %add3A_162, %mul3A_163 : i32
      %get3A_165 = arith.index_cast %mul3A_164 : i32 to index
      %get3A_166 = tpu.vector_load %arg12[%get3A_165] {strides = array<i32>} : memref<8192xf32, #tpu.memory_space<vmem>>, vector<16xf32>,
      %get3A_167 = vector.shape_cast %get3A_166 : vector<16xf32> to vector<16xf32>
      %get3A_168 = arith.index_cast %mul3A_164 : i32 to index
      %get3A_169 = tpu.vector_load %arg13[%get3A_168] {strides = array<i32>} : memref<8192xf32, #tpu.memory_space<vmem>>, vector<16xf32>,
      %get3A_170 = vector.shape_cast %get3A_169 : vector<16xf32> to vector<16xf32>
      %get3A_171 = arith.index_cast %mul3A_164 : i32 to index
      %get3A_172 = tpu.vector_load %arg14[%get3A_171] {strides = array<i32>} : memref<8192xf32, #tpu.memory_space<vmem>>, vector<16xf32>,
      %get3A_173 = vector.shape_cast %get3A_172 : vector<16xf32> to vector<16xf32>
      %mul3A_174 = arith.constant 5.000000e-01 : f32
      %mul3A_175 = vector.broadcast %mul3A_174 : f32 to vector<16xf32>
      %mul3A_176 = arith.mulf %mul3A_175, %get3A_173 : vector<16xf32>
      %mul3A_177 = arith.mulf %mul3A_176, %get3A_167 : vector<16xf32>
      %add3A_178 = arith.addf %get3A_170, %mul3A_177 : vector<16xf32>
      %mul3A_179 = arith.mulf %get3A_167, %add3A_178 : vector<16xf32>
      %add3A_180 = arith.addf %scan3A_114, %mul3A_179 : vector<16xf32>
      %mul3A_181 = arith.constant 4 : i32
      %mul3A_182 = arith.muli %scan3A_111, %mul3A_181 : i32
      %add3A_183 = arith.constant 3 : i32
      %add3A_184 = arith.addi %mul3A_182, %add3A_183 : i32
      %mul3A_185 = arith.constant 16 : i32
      %mul3A_186 = arith.muli %add3A_184, %mul3A_185 : i32
      %get3A_187 = arith.index_cast %mul3A_186 : i32 to index
      %get3A_188 = tpu.vector_load %arg12[%get3A_187] {strides = array<i32>} : memref<8192xf32, #tpu.memory_space<vmem>>, vector<16xf32>,
      %get3A_189 = vector.shape_cast %get3A_188 : vector<16xf32> to vector<16xf32>
      %get3A_190 = arith.index_cast %mul3A_186 : i32 to index
      %get3A_191 = tpu.vector_load %arg13[%get3A_190] {strides = array<i32>} : memref<8192xf32, #tpu.memory_space<vmem>>, vector<16xf32>,
      %get3A_192 = vector.shape_cast %get3A_191 : vector<16xf32> to vector<16xf32>
      %get3A_193 = arith.index_cast %mul3A_186 : i32 to index
      %get3A_194 = tpu.vector_load %arg14[%get3A_193] {strides = array<i32>} : memref<8192xf32, #tpu.memory_space<vmem>>, vector<16xf32>,
      %get3A_195 = vector.shape_cast %get3A_194 : vector<16xf32> to vector<16xf32>
      %mul3A_196 = arith.constant 5.000000e-01 : f32
      %mul3A_197 = vector.broadcast %mul3A_196 : f32 to vector<16xf32>
      %mul3A_198 = arith.mulf %mul3A_197, %get3A_195 : vector<16xf32>
      %mul3A_199 = arith.mulf %mul3A_198, %get3A_189 : vector<16xf32>
      %add3A_200 = arith.addf %get3A_192, %mul3A_199 : vector<16xf32>
      %mul3A_201 = arith.mulf %get3A_189, %add3A_200 : vector<16xf32>
      %add3A_202 = arith.addf %scan3A_115, %mul3A_201 : vector<16xf32>
      scf.yield %add3A_136, %add3A_158, %add3A_180, %add3A_202 : vector<16xf32>, vector<16xf32>, vector<16xf32>, vector<16xf32>
    }
    %scan3A_102 = arith.constant 128 : i32
    %add3A_103 = arith.addf %scan3A_101#0, %scan3A_101#1 : vector<16xf32>
    %add3A_104 = arith.addf %scan3A_101#2, %scan3A_101#3 : vector<16xf32>
    %add3A_105 = arith.addf %add3A_103, %add3A_104 : vector<16xf32>
    %swap3A = arith.constant 0 : index
    %swap3A_106 = tpu.vector_load %arg15[%swap3A] {strides = array<i32>} : memref<16xf32, #tpu.memory_space<vmem>>, vector<16xf32>,
    %swap3A_107 = vector.shape_cast %swap3A_106 : vector<16xf32> to vector<16xf32>
    %swap3A_108 = vector.shape_cast %add3A_105 : vector<16xf32> to vector<16xf32>
    tpu.vector_store %arg15[%swap3A], %swap3A_108 {strides = array<i32>} : memref<16xf32, #tpu.memory_space<vmem>>, vector<16xf32>,
    %mul3A_109 = arith.constant 16 : i32
    %mul3A_110 = arith.muli %add3A, %mul3A_109 : i32
    "tpu.region"() ({
      %run_scoped3A = tpu.sem_alloc : memref<!tpu.dma_semaphore, #tpu.memory_space<semaphore_mem>>
      %dma_start3A_111 = tpu.memref_slice %arg6[%mul3A_110] : memref<512xf32, #tpu.memory_space<hbm>> -> memref<16xf32, #tpu.memory_space<hbm>>
      %dma_start3A_112 = tpu.memref_slice %arg6[%mul3A_110] : memref<512xf32, #tpu.memory_space<hbm>> -> memref<16xf32, #tpu.memory_space<hbm>>
      tpu.enqueue_dma source(%arg15 : memref<16xf32, #tpu.memory_space<vmem>>) target(%dma_start3A_112 : memref<16xf32, #tpu.memory_space<hbm>>) target_semaphore(%run_scoped3A : memref<!tpu.dma_semaphore, #tpu.memory_space<semaphore_mem>>)
      %dma_wait3A_113 = tpu.memref_slice %arg6[%mul3A_110] : memref<512xf32, #tpu.memory_space<hbm>> -> memref<16xf32, #tpu.memory_space<hbm>>
      %dma_wait3A_114 = tpu.memref_slice %arg6[%mul3A_110] : memref<512xf32, #tpu.memory_space<hbm>> -> memref<16xf32, #tpu.memory_space<hbm>>
      tpu.wait_dma2 semaphore(%run_scoped3A : memref<!tpu.dma_semaphore, #tpu.memory_space<semaphore_mem>>) src(%arg15 : memref<16xf32, #tpu.memory_space<vmem>>) dst(%dma_wait3A_114 : memref<16xf32, #tpu.memory_space<hbm>>)
      tpu.yield
    }) : () -> ()
    return
  }
}

</mosaic_0001>

<sc_bundles>
// kernel: kernel.3.cloned.1.call-start
scs
__scs_entry_jumppad:
0x0: {  	(pc) =	sbr.rel $0x88, $3  }
0x1: {  	(tag) =	ssettag $0x0;
	lr =	simm.s32 $0x1  }
0x2: {  	[smem:$0x3F9D] =	sst lr;
	_ =	strace $0xD0000000  }
0x3: {  	_ = 	snop  }
0x4: {  	_ = 	snop  }
0x5: {  	_ = 	snop  }
0x6: {  	_ = 	snop  }
0x7: {  	_ = 	snop  }
__scs_overlays_trampoline_lowered:
0x8: {  	[smem:$0x3FAC] =	sst s0  }
0x9: {  	[smem:$0x3FAD] =	sst s1  }
0xa: {  	[smem:$0x3FAE] =	sst s2  }
0xb: {  	[smem:$0x3FAF] =	sst s3  }
0xc: {  	[smem:$0x3FB0] =	sst s4  }
0xd: {  	[smem:$0x3FB1] =	sst s5  }
0xe: {  	[smem:$0x3FB2] =	sst s6  }
0xf: {  	[smem:$0x3FB3] =	sst s7  }
0x10: {  	[smem:$0x3FB4] =	sst s8  }
0x11: {  	[smem:$0x3FB5] =	sst s9;
	s0 =	simm.s32 @!p0 $0x0  }
0x12: {  	s1 =	sld [smem:$0x3F9B];
	s0 =	simm.s32 @p0 $0x1  }
0x13: {  	[smem:$0x3FB6] =	sst s0;
	s0 =	simm.s32 @!p1 $0x0  }
0x14: {  	s2 =	sld [smem:$0x3F9A];
	s0 =	simm.s32 @p1 $0x1  }
0x15: {  	[smem:$0x3FB7] =	sst s0;
	s0 =	simm.s32 @!p2 $0x0  }
0x16: {  	s3 =	sld [smem:$0x3FDB];
	s0 =	simm.s32 @p2 $0x1  }
0x17: {  	s4 =	simm.s32 $0x1BF5;
	[smem:$0x3FB9] =	sst s0  }
0x18: {  	s0 =	sld [smem:$0x3F9C];
	_ =	swait.ge [sflag:s4], $0x0  }
0x19: {  	s7 =	sld [smem:$0x3F9D]  }
0x1a: {  	s8 =	sadd.s32 $0xFFFFE003, lr  }
0x1b: {  	s9 =	sadd.s32 $0xFFFFFEF7, lr;
	s5 =	simm.s32 $0xFFFFFFFF;
	p2 =	slt.u32 s8, $0xFFFFF086  }
0x1c: {  	p1 =	slt.u32 s9, $0xF7A;
	s5 =	simm.s32 @!p2 $0x0  }
0x1d: {  	s5 =	simm.s32 @p1 $0x1;
	p0 =	seq.s32 s7, s2  }
0x1e: {  	s7 =	smul.u32 @!p0 $0xF7A, s2;
	p2 =	seq.s32 @!p0 s5, $0x0  }
0x1f: {  	s9 =	smul.u32 $0xF7A, s1;
	s8 =	simm.s32 @!p0 $0x1BF5;
	p2 =	por !p2, p0  }
0x20: {  	[sflag:s8] =	ssyncset.s32 @!p0 $0xFFFFF086;
	s6 =	sadd.s32 @!p0 s3, s7;
	s7 =	simm.s32 @!p0 $0x108  }
0x21: {  	s3 =	sadd.s32 s3, s9;
	s6 =	sadd.s32 @!p0 $0x88, s6;
	s7 =	simm.s32 @p2 $0x1082  }
0x22: {  	[simem:s7], [sflag:s8] =	dma.local @!p0 [hbm:s6], $0xF7A  }
0x23: {  	s9 =	sor.u32 $0xD0000000, s2;
	s6 =	simm.s32 $0x108;
	_ =	swait.ge @!p0 [sflag:s8], $0x0  }
0x24: {  	s3 =	sadd.s32 $0x88, s3;
	s6 =	simm.s32 @!p1 $0x1082;
	[sflag:s4] =	ssyncset.s32 $0xFFFFF086  }
0x25: {  	[simem:s6], [sflag:s4] =	dma.local [hbm:s3], $0xF7A  }
0x26: {  	[smem:$0x3F9D] =	sst s1;
	(tag) =	ssettag s2;
	_ =	strace s9  }
0x27: {  	s1 =	sld [smem:$0x3FAD]  }
0x28: {  	s2 =	sld [smem:$0x3FAE]  }
0x29: {  	s4 =	sld [smem:$0x3FB0]  }
0x2a: {  	p0 =	seq.s32 s5, $0x0;
	s5 =	sld [smem:$0x3FB1]  }
0x2b: {  	s6 =	sld [smem:$0x3FB2]  }
0x2c: {  	s7 =	sld [smem:$0x3FB3]  }
0x2d: {  	s3 =	simm.s32 $0x108;
	s8 =	sld [smem:$0x3FB4]  }
0x2e: {  	s3 =	simm.s32 @!p0 $0x1082;
	s9 =	sld [smem:$0x3FB5]  }
0x2f: {  	lr =	sadd.s32 s0, s3;
	s0 =	sld [smem:$0x3FAC]  }
0x30: {  	s3 =	sld [smem:$0x3FAF]  }
0x31: {  	[smem:$0x3FB8] =	sst s10  }
0x32: {  	s10 =	sld [smem:$0x3FB6];
	_ =	sdelay $0x3  }
0x33: {  	p0 =	seq.s32 s10, $0x1;
	s10 =	sld [smem:$0x3FB8];
	_ =	sdelay $0x3  }
0x34: {  	[smem:$0x3FB8] =	sst s10  }
0x35: {  	s10 =	sld [smem:$0x3FB7];
	_ =	sdelay $0x3  }
0x36: {  	p1 =	seq.s32 s10, $0x1;
	s10 =	sld [smem:$0x3FB8];
	_ =	sdelay $0x3  }
0x37: {  	[smem:$0x3FB8] =	sst s10  }
0x38: {  	s10 =	sld [smem:$0x3FB9]  }
0x39: {  	_ = 	snop;
	(pc) =	sbr.ind lr, $3  }
0x3a: {  	_ = 	snop  }
0x3b: {  	_ = 	snop  }
0x3c: {  	p2 =	seq.s32 s10, $0x1;
	s10 =	sld [smem:$0x3FB8]  }
0x3d: {  	_ =	shalt  }
0x3e: {  	_ =	shalt  }
0x3f: {  	_ =	shalt  }
0x40: {  	_ =	shalt  }
0x41: {  	_ =	shalt  }
0x42: {  	_ =	shalt  }
0x43: {  	_ =	shalt  }
0x44: {  	_ =	shalt  }
0x45: {  	_ =	shalt  }
0x46: {  	_ =	shalt  }
0x47: {  	_ =	shalt  }
0x48: {  	_ =	shalt  }
0x49: {  	_ =	shalt  }
0x4a: {  	_ =	shalt  }
0x4b: {  	_ =	shalt  }
0x4c: {  	_ =	shalt  }
0x4d: {  	_ =	shalt  }
0x4e: {  	_ =	shalt  }
0x4f: {  	_ =	shalt  }
0x50: {  	_ =	shalt  }
0x51: {  	_ =	shalt  }
0x52: {  	_ =	shalt  }
0x53: {  	_ =	shalt  }
0x54: {  	_ =	shalt  }
0x55: {  	_ =	shalt  }
0x56: {  	_ =	shalt  }
0x57: {  	_ =	shalt  }
0x58: {  	_ =	shalt  }
0x59: {  	_ =	shalt  }
0x5a: {  	_ =	shalt  }
0x5b: {  	_ =	shalt  }
0x5c: {  	_ =	shalt  }
0x5d: {  	_ =	shalt  }
0x5e: {  	_ =	shalt  }
0x5f: {  	_ =	shalt  }
0x60: {  	_ =	shalt  }
0x61: {  	_ =	shalt  }
0x62: {  	_ =	shalt  }
0x63: {  	_ =	shalt  }
0x64: {  	_ =	shalt  }
0x65: {  	_ =	shalt  }
0x66: {  	_ =	shalt  }
0x67: {  	_ =	shalt  }
0x68: {  	_ =	shalt  }
0x69: {  	_ =	shalt  }
0x6a: {  	_ =	shalt  }
0x6b: {  	_ =	shalt  }
0x6c: {  	_ =	shalt  }
0x6d: {  	_ =	shalt  }
0x6e: {  	_ =	shalt  }
0x6f: {  	_ =	shalt  }
0x70: {  	_ =	shalt  }
0x71: {  	_ =	shalt  }
0x72: {  	_ =	shalt  }
0x73: {  	_ =	shalt  }
0x74: {  	_ =	shalt  }
0x75: {  	_ =	shalt  }
0x76: {  	_ =	shalt  }
0x77: {  	_ =	shalt  }
0x78: {  	_ =	shalt  }
0x79: {  	_ =	shalt  }
0x7a: {  	_ =	shalt  }
0x7b: {  	_ =	shalt  }
0x7c: {  	_ =	shalt  }
0x7d: {  	_ =	shalt  }
0x7e: {  	_ =	shalt  }
0x7f: {  	_ =	shalt  }
0x80: {  	_ =	shalt  }
0x81: {  	_ =	shalt  }
0x82: {  	_ =	shalt  }
0x83: {  	_ =	shalt  }
0x84: {  	_ =	shalt  }
0x85: {  	_ =	shalt  }
0x86: {  	_ =	shalt  }
0x87: {  	_ =	shalt  }
.Lfunc_end0:
.L_simem_size_0:
called_computation_lowered:
.L_overlay_start_0:
0x88: {  	s2 =	sld [smem:$0x3FD9]  }
0x89: {  	s3 =	sld [smem:$0x3FFE];
	_ =	sdelay $0x1  }
0x8a: {  	s1 =	srdreg.scid  }
0x8b: {  	s0 =	sand.u32 $0x1, s1  }
0x8c: {  	s17 =	sshll.u32 s0, $0xA;
	s2 =	sadd.s32 s3, s2  }
0x8d: {  	s2 =	sadd.s32 s2, s17  }
0x8e: {  	[smem:$0x3FC4] =	sst s2  }
0x8f: {  	_ = 	snop  }
0x90: {  	s2 =	sld [smem:$0x3FC9]  }
0x91: {  	s18 =	sld [smem:$0x3FC8]  }
0x92: {  	s4 =	sld [smem:$0x3FC7]  }
0x93: {  	s5 =	sld [smem:$0x3FC6];
	(tm) =	ssettm $0x1  }
0x94: {  	s6 =	sld [smem:$0x3FFB];
	_ =	sdelay $0x3  }
0x95: {  	_ =	strace s6  }
0x96: {  	s6 =	sld [smem:$0x3FFC];
	_ =	sdelay $0x3  }
0x97: {  	_ =	strace s6  }
0x98: {  	s6 =	sld [smem:$0x3FFD];
	_ =	sdelay $0x3  }
0x99: {  	_ =	strace s6  }
0x9a: {  	_ =	strace $0x8FFFFFFF  }
0x9b: {  	s19 =	sld [smem:$0x3FDB];
	_ =	sdelay $0x1  }
0x9c: {  	s7 =	simm.s32 $_scs_section_size  }
0x9d: {  	s8 =	simm.s32 $_size__tile_overlayer_lowered;
	s9 =	simm.s32 $_tile_overlayer_lowered  }
0x9e: {  	s22 =	simm.s32 $0x1BFF;
	s21 =	sshll.u32 s9, $0x1;
	s6 =	sadd.s32 s7, s19  }
0x9f: {  	s10 =	simm.s32 $0x0;
	s20 =	sshll.u32 s8, $0x1;
	s8 =	sadd.s32 s21, s6  }
0xa0: {  	[timem:s10], [sflag:s22] =	dma.local [hbm:s8], s20  }
0xa1: {  	_ =	swait.ge [sflag:s22], s20  }
0xa2: {  	s7 =	ssub.s32 $0x0, s20;
	[sflag:s22] =	ssyncset.done $0x0  }
0xa3: {  	[sflag:s22] =	ssyncadd.s32 s7;
	_ =	sdelay $0x1  }
0xa4: {  	s23 =	simm.s32 $0x1B8B  }
0xa5: {  	_ =	swait.ge [sflag:s23], $0x1  }
0xa6: {  	[sflag:s23] =	ssyncset.done $0x0  }
0xa7: {  	s25 =	simm.s32 $0x1B8E;
	s24 =	sld [smem:$0x3FFE];
	[sflag:s23] =	ssyncadd.s32 $0xFFFFFFFF  }
0xa8: {  	s26 =	simm.s32 $execute0_lowered;
	[smem:$0x3FD2] =	sst s25  }
0xa9: {  	s8 =	sshll.u32 s26, $0x1;
	_ =	strace $0x80000046;
	[dreg:$0x1] =	wrdreg $0xFFFFFFFF  }
0xaa: {  	s28 =	simm.s32 $_size_execute0_lowered;
	s6 =	sadd.s32 s6, s8;
	[dreg:$0x0] =	wrdreg $0x0  }
0xab: {  	s8 =	sshll.u32 s28, $0x1;
	[dreg:$0x2] =	wrdreg s6  }
0xac: {  	[dreg:$0x3] =	wrdreg s8  }
0xad: {  	[dreg:$0x4] =	wrdreg $0xC0  }
0xae: {  	_ =	task [dreg:s10], $0x5FFFF  }
0xaf: {  	[dreg:$0x1] =	wrdreg $0xFFFFFFFF  }
0xb0: {  	[dreg:$0x0] =	wrdreg $0x60  }
0xb1: {  	[dreg:$0x2] =	wrdreg s2  }
0xb2: {  	[dreg:$0x3] =	wrdreg s18  }
0xb3: {  	[dreg:$0x4] =	wrdreg s4  }
0xb4: {  	[dreg:$0x5] =	wrdreg s5  }
0xb5: {  	[dreg:$0x6] =	wrdreg s24  }
0xb6: {  	[dreg:$0x7] =	wrdreg $0x9  }
0xb7: {  	_ =	task.clear_ibuf [dreg:s10], $0x8FFFF;
	_ =	strace $0x90000046  }
0xb8: {  	s29 =	simm.s32 $0x9;
	_ =	strace $0x80000048  }
0xb9: {  	_ =	swait.ge [sflag:s29], $0x1  }
0xba: {  	[sflag:s29] =	ssyncadd.s32 $0xFFFFFFFF  }
0xbb: {  	_ =	strace $0x90000048  }
0xbc: {  	_ =	sfence  }
0xbd: {  	s30 =	sld [smem:$0x0];
	_ =	sdelay $0x2  }
0xbe: {  	s31 =	sshll.u32 s1, $0xD;
	s1 =	sshrl.u32 s1, $0x2  }
0xbf: {  	s3 =	sand.u32 $0x4000, s31;
	s1 =	sadd.s32 s1, s30  }
0xc0: {  	s0 =	sor.u32 s3, s0;
	s1 =	sshll.u32 s1, $0x11  }
0xc1: {  	s0 =	sor.u32 s1, s0  }
0xc2: {  	s0 =	sadd.s32 $0x8F2B, s0  }
0xc3: {  	[sflag:s0] =	ssyncadd.remote.s32 $0x1  }
0xc4: {  	_ =	sfence.sel $0xFFFF  }
0xc5: {  	[dreg:$0x0] =	wrdreg $0xFFFFFFFF;
	(pc) =	sbr.abs _section_cstart, $3  }
0xc6: {  	[dreg:$0x1] =	wrdreg $0xFFFFFFFF  }
0xc7: {  	_ =	task.clear_ibuf [dreg:s10], $0x2FFFF;
	_ =	strace $0x9FFFFFFF  }
0xc8: {  	(tm) =	ssettm $0x7FFFFFFF  }
0xc9: {  	_ =	shalt  }
tec
execute0_lowered:
.L_overlay_start_1:
0x0: {  	(tag) =	ssettag $0x1  }
0x1: {  	s0 =	rddreg [dreg:$0x0]  }
0x2: {  	s2 =	rddreg [dreg:$0x1]  }
0x3: {  	s1 =	rddreg [dreg:$0x2]  }
0x4: {  	s3 =	rddreg [dreg:$0x3]  }
0x5: {  	s5 =	rddreg [dreg:$0x4]  }
0x6: {  	s6 =	srdreg.scid;
	s7 =	stileid.u32;
	s4 =	simm.s32 $0x0  }
0x7: {  	s15 =	simm.s32 $0x2000;
	s16 =	simm.s32 $0x1;
	s17 =	simm.s32 $0x4000  }
0x8: {  	s18 =	simm.s32 $0x6000;
	s19 =	simm.s32 $0x8000;
	s20 =	simm.s32 $0xA000  }
0x9: {  	s21 =	simm.s32 $0x5;
	s22 =	simm.s32 $0xC000;
	s28 =	simm.s32 $0x6  }
0xa: {  	s29 =	simm.s32 $0x7;
	s30 =	simm.s32 $0x8;
	s6 =	sand.u32 $0x1, s6  }
0xb: {  	s7 =	sshll.u32 s7, $0x1;
	[smem:$0x7FF] =	sst s4;
	s8 =	ssub.s32 $0x2, s6  }
0xc: {  	s12 =	sor.u32 s6, s7;
	_ =	strace $0x80000047;
	s23 =	sshrl.u32 s8, $0x1  }
0xd: {  	s10 =	sshll.u32 s12, $0xC;
	s31 =	sshll.u32 s12, $0x1;
	s14 =	ssub.s32 s8, s23  }
0xe: {  	s24 =	sadd.s32 s2, s10;
	s25 =	sor.u32 $0x400, s10;
	s26 =	sadd.s32 s0, s10  }
0xf: {  	s11 =	sor.u32 $0x800, s10;
	s13 =	sor.u32 $0xC00, s10;
	[dreg:$0x6] =	wrdreg s24  }
0x10: {  	s23 =	simm.s32 $0xE000;
	[dreg:$0x7] =	wrdreg s26;
	s7 =	sadd.s32 s2, s25  }
0x11: {  	s8 =	sadd.s32 s0, s25;
	s9 =	sadd.s32 s2, s11;
	s10 =	sadd.s32 s0, s11  }
0x12: {  	s11 =	sadd.s32 s2, s13;
	s12 =	sadd.s32 s0, s13;
	s13 =	sadd.s32 s5, s31  }
0x13: {  	s14 =	smax.u32 s14, $0x1;
	s24 =	simm.s32 $0x2;
	s25 =	simm.s32 $0x3  }
0x14: {  	s26 =	simm.s32 $0x4;
	s0 =	simm.s32 $0x9;
	s2 =	simm.s32 $0x0  }
.LBB2_1:
0x15: {  	s5 =	rddreg [dreg:$0x6]  }
0x16: {  	[tilespmem:s4], [sflag:$0x1] =	stream.linear.gather [hbm4b:s5+s4], $0x2000, $0x38;
	[tilespmem:$0x10080] =	vst v63  }
0x17: {  	s6 =	rddreg [dreg:$0x7]  }
0x18: {  	[tilespmem:s15], [sflag:$0x2] =	stream.linear.gather [hbm4b:s6+s4], $0x2000, $0x38;
	[tilespmem:$0x10080] =	vst v63  }
0x19: {  	_ =	swait.ge [sflag:s16], $0x2000  }
0x1a: {  	[sflag:s16] =	ssyncset.done $0x0  }
0x1b: {  	[sflag:s16] =	ssyncadd.s32 $0xFFFFE000  }
0x1c: {  	[tilespmem:s17], [sflag:$0x3] =	stream.indirect.gather [hbm4b:s1+s15], $0x1, s4, s15, $0xb8;
	[tilespmem:$0x10080] =	vst v63  }
0x1d: {  	_ = 	snop  }
0x1e: {  	[tilespmem:s18], [sflag:$0x4] =	stream.indirect.gather [hbm4b:s3+s15], $0x1, s4, s15, $0xb8;
	[tilespmem:$0x10080] =	vst v63  }
0x1f: {  	_ = 	snop  }
0x20: {  	[tilespmem:s19], [sflag:$0x5] =	stream.linear.gather [hbm4b:s7+s4], $0x2000, $0x38;
	[tilespmem:$0x10080] =	vst v63  }
0x21: {  	_ = 	snop  }
0x22: {  	[tilespmem:s20], [sflag:$0x6] =	stream.linear.gather [hbm4b:s8+s4], $0x2000, $0x38;
	[tilespmem:$0x10080] =	vst v63  }
0x23: {  	_ =	swait.ge [sflag:s21], $0x2000  }
0x24: {  	[sflag:s21] =	ssyncset.done $0x0  }
0x25: {  	[sflag:s21] =	ssyncadd.s32 $0xFFFFE000  }
0x26: {  	[tilespmem:s22], [sflag:$0x7] =	stream.indirect.gather [hbm4b:s1+s15], $0x1, s19, s15, $0xb8;
	[tilespmem:$0x10080] =	vst v63  }
0x27: {  	_ = 	snop  }
0x28: {  	[tilespmem:s23], [sflag:$0x8] =	stream.indirect.gather [hbm4b:s3+s15], $0x1, s19, s15, $0xb8;
	[tilespmem:$0x10080] =	vst v63  }
0x29: {  	_ =	swait.ge [sflag:s24], $0x2000  }
0x2a: {  	[sflag:s24] =	ssyncset.done $0x0  }
0x2b: {  	[sflag:s24] =	ssyncadd.s32 $0xFFFFE000  }
0x2c: {  	_ =	swait.ge [sflag:s25], $0x2000  }
0x2d: {  	[sflag:s25] =	ssyncset.done $0x0  }
0x2e: {  	[sflag:s25] =	ssyncadd.s32 $0xFFFFE000  }
0x2f: {  	_ =	swait.ge [sflag:s26], $0x2000  }
0x30: {  	[sflag:s26] =	ssyncset.done $0x0  }
0x31: {  	s6 =	simm.s32 $0x0;
	[sflag:s26] =	ssyncadd.s32 $0xFFFFE000  }
0x32: {  	v0 =	vld [tilespmem:s6+$0x6030]  }
0x33: {  	v1 =	vld [tilespmem:s6+$0x6000]  }
0x34: {  	v5 =	vld [tilespmem:s6+$0x2030]  }
0x35: {  	v3 =	vld [tilespmem:s6+$0x6010]  }
0x36: {  	v7 =	vld [tilespmem:s6+$0x4030]  }
0x37: {  	v9 =	vld [tilespmem:s6+$0x6020]  }
0x38: {  	v6 =	vld [tilespmem:s6+$0x2000];
	v0 =	vmul.f32 $5.000000000e-01, v0;
	_ =	sdelay $0x1  }
0x39: {  	v4 =	vld [tilespmem:s6+$0x2010];
	v0 =	vmul.f32 v0, v5  }
0x3a: {  	v2 =	vld [tilespmem:s6+$0x2020];
	v1 =	vmul.f32 $5.000000000e-01, v1  }
0x3b: {  	v8 =	vld [tilespmem:s6+$0x4000];
	v10 =	vmul.f32 $5.000000000e-01, v3;
	v12 =	vmul.f32 $5.000000000e-01, v9;
	v0 =	vadd.f32 v0, v7  }
0x3c: {  	v3 =	vimm.f32 $0.0e+00;
	v9 =	vld [tilespmem:s6+$0x4010];
	v13 =	vmul.f32 v1, v6;
	v1 =	vimm.f32 $0.0e+00  }
0x3d: {  	s31 =	simm.s32 $0x40;
	s5 =	simm.s32 $0x200;
	v7 =	vld [tilespmem:s6+$0x4020];
	v11 =	vmul.f32 v0, v5;
	v5 =	vimm.f32 $0.0e+00;
	v0 =	vimm.f32 $0.0e+00  }
.LBB2_2:
0x3e: {  	p0 =	sne.s32 s5, $0x7F00;
	v14 =	vld [tilespmem:s31+$0x6030];
	v10 =	vmul.f32 v10, v4  }
0x3f: {  	v15 =	vld [tilespmem:s31+$0x6000];
	v12 =	vmul.f32 v12, v2;
	v3 =	vadd.f32 v11, v3  }
0x40: {  	v11 =	vld [tilespmem:s31+$0x2030];
	v8 =	vadd.f32 v13, v8  }
0x41: {  	v13 =	vld [tilespmem:s31+$0x6010];
	v9 =	vadd.f32 v10, v9  }
0x42: {  	v16 =	vld [tilespmem:s31+$0x4030];
	v8 =	vmul.f32 v8, v6;
	v7 =	vadd.f32 v12, v7  }
0x43: {  	v12 =	vld [tilespmem:s31+$0x6020];
	v10 =	vmul.f32 $5.000000000e-01, v14;
	v9 =	vmul.f32 v9, v4  }
0x44: {  	v6 =	vld [tilespmem:s31+$0x2000];
	v14 =	vmul.f32 $5.000000000e-01, v15;
	v5 =	vadd.f32 v8, v5;
	v7 =	vmul.f32 v7, v2  }
.Ltmp0:
0x45: {  	v4 =	vld [tilespmem:s31+$0x2010];
	v15 =	vmul.f32 v10, v11;
	v1 =	vadd.f32 v9, v1;
	(pc) =	sbr.rel @p0 .LBB2_2-.Ltmp0, $4  }
0x46: {  	v10 =	vmul.f32 $5.000000000e-01, v13;
	v2 =	vld [tilespmem:s31+$0x2020];
	v0 =	vadd.f32 v7, v0  }
0x47: {  	v8 =	vld [tilespmem:s31+$0x4000];
	v15 =	vadd.f32 v15, v16  }
0x48: {  	v9 =	vld [tilespmem:s31+$0x4010];
	v12 =	vmul.f32 $5.000000000e-01, v12  }
0x49: {  	v13 =	vmul.f32 v14, v6;
	v7 =	vld [tilespmem:s31+$0x4020];
	s31 =	sshra.s32 s5, $0x2;
	s5 =	sadd.s32 $0x100, s5;
	v11 =	vmul.f32 v15, v11  }
0x4a: {  	v14 =	vld [tilespmem:s31+$0x6030]  }
0x4b: {  	v15 =	vld [tilespmem:s31+$0x6000]  }
0x4c: {  	v16 =	vld [tilespmem:s31+$0x2030]  }
0x4d: {  	v17 =	vld [tilespmem:s31+$0x6010]  }
0x4e: {  	v18 =	vld [tilespmem:s31+$0x4030]  }
0x4f: {  	v19 =	vld [tilespmem:s31+$0x6020]  }
0x50: {  	v20 =	vld [tilespmem:s31+$0x2000]  }
0x51: {  	v21 =	vld [tilespmem:s31+$0x2010]  }
0x52: {  	v22 =	vld [tilespmem:s31+$0x2020]  }
0x53: {  	v23 =	vld [tilespmem:s31+$0x4000]  }
0x54: {  	v24 =	vld [tilespmem:s31+$0x4010];
	s5 =	simm.s32 $0x0  }
0x55: {  	v25 =	vld [tilespmem:s31+$0x4020];
	[tilespmem:s5], [sflag:$0x1] =	stream.linear.gather [hbm4b:s9+s5], $0x2000, $0x38  }
0x56: {  	_ = 	snop  }
0x57: {  	[tilespmem:s15], [sflag:$0x2] =	stream.linear.gather [hbm4b:s10+s5], $0x2000, $0x38;
	[tilespmem:$0x10080] =	vst v63  }
0x58: {  	_ =	swait.ge [sflag:s16], $0x2000  }
0x59: {  	[sflag:s16] =	ssyncset.done $0x0  }
0x5a: {  	[sflag:s16] =	ssyncadd.s32 $0xFFFFE000  }
0x5b: {  	[tilespmem:s17], [sflag:$0x3] =	stream.indirect.gather [hbm4b:s1+s15], $0x1, s5, s15, $0xb8;
	[tilespmem:$0x10080] =	vst v63  }
0x5c: {  	_ = 	snop  }
0x5d: {  	[tilespmem:s18], [sflag:$0x4] =	stream.indirect.gather [hbm4b:s3+s15], $0x1, s5, s15, $0xb8;
	[tilespmem:$0x10080] =	vst v63  }
0x5e: {  	_ =	swait.ge [sflag:s28], $0x2000  }
0x5f: {  	[sflag:s28] =	ssyncset.done $0x0  }
0x60: {  	[sflag:s28] =	ssyncadd.s32 $0xFFFFE000  }
0x61: {  	_ =	swait.ge [sflag:s29], $0x2000  }
0x62: {  	[sflag:s29] =	ssyncset.done $0x0  }
0x63: {  	[sflag:s29] =	ssyncadd.s32 $0xFFFFE000  }
0x64: {  	v10 =	vmul.f32 v10, v4;
	v8 =	vadd.f32 v13, v8;
	_ =	swait.ge [sflag:s30], $0x2000  }
0x65: {  	[sflag:s30] =	ssyncset.done $0x0  }
0x66: {  	s6 =	simm.s32 $0x0;
	v9 =	vadd.f32 v10, v9;
	v10 =	vmul.f32 v12, v2;
	v6 =	vmul.f32 v8, v6;
	[sflag:s30] =	ssyncadd.s32 $0xFFFFE000  }
0x67: {  	v3 =	vadd.f32 v11, v3;
	v12 =	vmul.f32 $5.000000000e-01, v14;
	v8 =	vmul.f32 $5.000000000e-01, v15;
	v13 =	vld [tilespmem:s6+$0xE030]  }
0x68: {  	v7 =	vadd.f32 v10, v7;
	v4 =	vmul.f32 v9, v4;
	v11 =	vmul.f32 $5.000000000e-01, v17;
	v10 =	vld [tilespmem:s6+$0xE000]  }
0x69: {  	v9 =	vmul.f32 v12, v16;
	v8 =	vmul.f32 v8, v20;
	v12 =	vld [tilespmem:s6+$0xA030]  }
0x6a: {  	v14 =	vadd.f32 v6, v5;
	v5 =	vmul.f32 $5.000000000e-01, v19;
	v2 =	vmul.f32 v7, v2;
	v15 =	vld [tilespmem:s6+$0xE010]  }
0x6b: {  	v7 =	vmul.f32 v11, v21;
	v6 =	vadd.f32 v9, v18;
	v8 =	vadd.f32 v8, v23;
	v9 =	vld [tilespmem:s6+$0xC030]  }
0x6c: {  	v1 =	vadd.f32 v4, v1;
	v4 =	vmul.f32 v5, v22;
	v11 =	vld [tilespmem:s6+$0xE020];
	v13 =	vmul.f32 $5.000000000e-01, v13  }
0x6d: {  	v7 =	vadd.f32 v7, v24;
	v16 =	vmul.f32 v6, v16;
	v8 =	vmul.f32 v8, v20;
	v6 =	vld [tilespmem:s6+$0xA000]  }
0x6e: {  	v0 =	vadd.f32 v2, v0;
	v61 =	vadd.f32 v4, v25;
	v5 =	vld [tilespmem:s6+$0xA010];
	v13 =	vmul.f32 v13, v12  }
0x6f: {  	v62 =	vmul.f32 v7, v21;
	v3 =	vadd.f32 v16, v3;
	v2 =	vadd.f32 v8, v14;
	v4 =	vld [tilespmem:s6+$0xA020]  }
0x70: {  	v8 =	vmul.f32 v61, v22;
	v7 =	vld [tilespmem:s6+$0xC000];
	v14 =	vmul.f32 $5.000000000e-01, v10;
	v63 =	vadd.f32 v13, v9  }
0x71: {  	v1 =	vadd.f32 v62, v1;
	v10 =	vmul.f32 $5.000000000e-01, v15;
	v11 =	vmul.f32 $5.000000000e-01, v11;
	v9 =	vld [tilespmem:s6+$0xC010]  }
0x72: {  	s31 =	simm.s32 $0x40;
	s5 =	simm.s32 $0x200;
	v0 =	vadd.f32 v8, v0;
	v8 =	vld [tilespmem:s6+$0xC020];
	v13 =	vmul.f32 v14, v6;
	v12 =	vmul.f32 v63, v12  }
.LBB2_4:
0x73: {  	p0 =	sne.s32 s5, $0x7F00;
	v14 =	vld [tilespmem:s31+$0xE030];
	v10 =	vmul.f32 v10, v5  }
0x74: {  	v15 =	vld [tilespmem:s31+$0xE000];
	v11 =	vmul.f32 v11, v4;
	v3 =	vadd.f32 v12, v3  }
0x75: {  	v12 =	vld [tilespmem:s31+$0xA030];
	v7 =	vadd.f32 v13, v7  }
0x76: {  	v13 =	vld [tilespmem:s31+$0xE010];
	v9 =	vadd.f32 v10, v9  }
0x77: {  	v16 =	vld [tilespmem:s31+$0xC030];
	v7 =	vmul.f32 v7, v6;
	v8 =	vadd.f32 v11, v8  }
0x78: {  	v11 =	vld [tilespmem:s31+$0xE020];
	v10 =	vmul.f32 $5.000000000e-01, v14;
	v9 =	vmul.f32 v9, v5  }
0x79: {  	v6 =	vld [tilespmem:s31+$0xA000];
	v14 =	vmul.f32 $5.000000000e-01, v15;
	v2 =	vadd.f32 v7, v2;
	v7 =	vmul.f32 v8, v4  }
.Ltmp1:
0x7a: {  	v5 =	vld [tilespmem:s31+$0xA010];
	v8 =	vmul.f32 v10, v12;
	v1 =	vadd.f32 v9, v1;
	(pc) =	sbr.rel @p0 .LBB2_4-.Ltmp1, $4  }
0x7b: {  	v10 =	vmul.f32 $5.000000000e-01, v13;
	v4 =	vld [tilespmem:s31+$0xA020];
	v0 =	vadd.f32 v7, v0  }
0x7c: {  	v7 =	vld [tilespmem:s31+$0xC000];
	v15 =	vadd.f32 v8, v16  }
0x7d: {  	v9 =	vld [tilespmem:s31+$0xC010];
	v11 =	vmul.f32 $5.000000000e-01, v11  }
0x7e: {  	v13 =	vmul.f32 v14, v6;
	v8 =	vld [tilespmem:s31+$0xC020];
	s31 =	sshra.s32 s5, $0x2;
	s5 =	sadd.s32 $0x100, s5;
	v12 =	vmul.f32 v15, v12  }
0x7f: {  	v14 =	vld [tilespmem:s31+$0xE030]  }
0x80: {  	v15 =	vld [tilespmem:s31+$0xE000]  }
0x81: {  	v16 =	vld [tilespmem:s31+$0xA030]  }
0x82: {  	v17 =	vld [tilespmem:s31+$0xE010]  }
0x83: {  	v18 =	vld [tilespmem:s31+$0xC030]  }
0x84: {  	v19 =	vld [tilespmem:s31+$0xE020]  }
0x85: {  	v20 =	vld [tilespmem:s31+$0xA000]  }
0x86: {  	v21 =	vld [tilespmem:s31+$0xA010]  }
0x87: {  	v22 =	vld [tilespmem:s31+$0xA020]  }
0x88: {  	v23 =	vld [tilespmem:s31+$0xC000]  }
0x89: {  	v24 =	vld [tilespmem:s31+$0xC010];
	s5 =	simm.s32 $0x0  }
0x8a: {  	v25 =	vld [tilespmem:s31+$0xC020];
	[tilespmem:s19], [sflag:$0x5] =	stream.linear.gather [hbm4b:s11+s5], $0x2000, $0x38  }
0x8b: {  	_ = 	snop  }
0x8c: {  	[tilespmem:s20], [sflag:$0x6] =	stream.linear.gather [hbm4b:s12+s5], $0x2000, $0x38;
	[tilespmem:$0x10080] =	vst v63  }
0x8d: {  	_ =	swait.ge [sflag:s21], $0x2000  }
0x8e: {  	[sflag:s21] =	ssyncset.done $0x0  }
0x8f: {  	[sflag:s21] =	ssyncadd.s32 $0xFFFFE000  }
0x90: {  	[tilespmem:s22], [sflag:$0x7] =	stream.indirect.gather [hbm4b:s1+s15], $0x1, s19, s15, $0xb8;
	[tilespmem:$0x10080] =	vst v63  }
0x91: {  	_ = 	snop  }
0x92: {  	[tilespmem:s23], [sflag:$0x8] =	stream.indirect.gather [hbm4b:s3+s15], $0x1, s19, s15, $0xb8;
	[tilespmem:$0x10080] =	vst v63  }
0x93: {  	_ =	swait.ge [sflag:s24], $0x2000  }
0x94: {  	[sflag:s24] =	ssyncset.done $0x0  }
0x95: {  	[sflag:s24] =	ssyncadd.s32 $0xFFFFE000  }
0x96: {  	_ =	swait.ge [sflag:s25], $0x2000  }
0x97: {  	[sflag:s25] =	ssyncset.done $0x0  }
0x98: {  	v10 =	vmul.f32 v10, v5;
	[sflag:s25] =	ssyncadd.s32 $0xFFFFE000  }
0x99: {  	v7 =	vadd.f32 v13, v7;
	_ =	swait.ge [sflag:s26], $0x2000  }
0x9a: {  	v9 =	vadd.f32 v10, v9;
	v10 =	vmul.f32 v11, v4;
	[sflag:s26] =	ssyncset.done $0x0  }
0x9b: {  	s6 =	simm.s32 $0x0;
	v6 =	vmul.f32 v7, v6;
	[sflag:s26] =	ssyncadd.s32 $0xFFFFE000  }
0x9c: {  	v11 =	vmul.f32 $5.000000000e-01, v14;
	v7 =	vmul.f32 $5.000000000e-01, v15;
	v8 =	vadd.f32 v10, v8;
	v13 =	vld [tilespmem:s6+$0x6030]  }
0x9d: {  	v5 =	vmul.f32 v9, v5;
	v2 =	vadd.f32 v6, v2;
	v6 =	vmul.f32 $5.000000000e-01, v19;
	v10 =	vld [tilespmem:s6+$0x6000]  }
0x9e: {  	v3 =	vadd.f32 v12, v3;
	v9 =	vmul.f32 v11, v16;
	v11 =	vmul.f32 $5.000000000e-01, v17;
	v12 =	vld [tilespmem:s6+$0x2030]  }
0x9f: {  	v7 =	vmul.f32 v7, v20;
	v4 =	vmul.f32 v8, v4;
	v1 =	vadd.f32 v5, v1;
	v8 =	vld [tilespmem:s6+$0x6010]  }
0xa0: {  	v5 =	vmul.f32 v6, v22;
	v9 =	vadd.f32 v9, v18;
	v11 =	vmul.f32 v11, v21;
	v14 =	vld [tilespmem:s6+$0x4030]  }
0xa1: {  	v7 =	vadd.f32 v7, v23;
	v15 =	vld [tilespmem:s6+$0x6020];
	v13 =	vmul.f32 $5.000000000e-01, v13  }
0xa2: {  	v62 =	vadd.f32 v5, v25;
	v9 =	vmul.f32 v9, v16;
	v11 =	vadd.f32 v11, v24;
	v6 =	vld [tilespmem:s6+$0x2000]  }
0xa3: {  	v0 =	vadd.f32 v4, v0;
	v7 =	vmul.f32 v7, v20;
	v5 =	vld [tilespmem:s6+$0x2010];
	v13 =	vmul.f32 v13, v12  }
0xa4: {  	v16 =	vmul.f32 v62, v22;
	v3 =	vadd.f32 v9, v3;
	v9 =	vmul.f32 v11, v21;
	v4 =	vld [tilespmem:s6+$0x2020]  }
0xa5: {  	v2 =	vadd.f32 v7, v2;
	v7 =	vld [tilespmem:s6+$0x4000];
	v63 =	vmul.f32 $5.000000000e-01, v10;
	v14 =	vadd.f32 v13, v14  }
0xa6: {  	v1 =	vadd.f32 v9, v1;
	v9 =	vld [tilespmem:s6+$0x4010];
	v10 =	vmul.f32 $5.000000000e-01, v8;
	v11 =	vmul.f32 $5.000000000e-01, v15  }
0xa7: {  	s31 =	simm.s32 $0x40;
	s5 =	simm.s32 $0x200;
	v0 =	vadd.f32 v16, v0;
	v8 =	vld [tilespmem:s6+$0x4020];
	v13 =	vmul.f32 v63, v6;
	v12 =	vmul.f32 v14, v12  }
.LBB2_6:
0xa8: {  	p0 =	sne.s32 s5, $0x7F00;
	v14 =	vld [tilespmem:s31+$0x6030];
	v10 =	vmul.f32 v10, v5  }
0xa9: {  	v15 =	vld [tilespmem:s31+$0x6000];
	v11 =	vmul.f32 v11, v4;
	v3 =	vadd.f32 v12, v3  }
0xaa: {  	v12 =	vld [tilespmem:s31+$0x2030];
	v7 =	vadd.f32 v13, v7  }
0xab: {  	v13 =	vld [tilespmem:s31+$0x6010];
	v9 =	vadd.f32 v10, v9  }
0xac: {  	v16 =	vld [tilespmem:s31+$0x4030];
	v7 =	vmul.f32 v7, v6;
	v8 =	vadd.f32 v11, v8  }
0xad: {  	v11 =	vld [tilespmem:s31+$0x6020];
	v10 =	vmul.f32 $5.000000000e-01, v14;
	v9 =	vmul.f32 v9, v5  }
0xae: {  	v6 =	vld [tilespmem:s31+$0x2000];
	v14 =	vmul.f32 $5.000000000e-01, v15;
	v2 =	vadd.f32 v7, v2;
	v7 =	vmul.f32 v8, v4  }
.Ltmp2:
0xaf: {  	v5 =	vld [tilespmem:s31+$0x2010];
	v8 =	vmul.f32 v10, v12;
	v1 =	vadd.f32 v9, v1;
	(pc) =	sbr.rel @p0 .LBB2_6-.Ltmp2, $4  }
0xb0: {  	v10 =	vmul.f32 $5.000000000e-01, v13;
	v4 =	vld [tilespmem:s31+$0x2020];
	v0 =	vadd.f32 v7, v0  }
0xb1: {  	v7 =	vld [tilespmem:s31+$0x4000];
	v15 =	vadd.f32 v8, v16  }
0xb2: {  	v9 =	vld [tilespmem:s31+$0x4010];
	v11 =	vmul.f32 $5.000000000e-01, v11  }
0xb3: {  	v13 =	vmul.f32 v14, v6;
	v8 =	vld [tilespmem:s31+$0x4020];
	s31 =	sshra.s32 s5, $0x2;
	s5 =	sadd.s32 $0x100, s5;
	v12 =	vmul.f32 v15, v12  }
0xb4: {  	v14 =	vld [tilespmem:s31+$0x6030]  }
0xb5: {  	v15 =	vld [tilespmem:s31+$0x6000]  }
0xb6: {  	v16 =	vld [tilespmem:s31+$0x2030]  }
0xb7: {  	v17 =	vld [tilespmem:s31+$0x6010]  }
0xb8: {  	v18 =	vld [tilespmem:s31+$0x4030]  }
0xb9: {  	v19 =	vld [tilespmem:s31+$0x6020]  }
0xba: {  	v20 =	vld [tilespmem:s31+$0x2000]  }
0xbb: {  	v21 =	vld [tilespmem:s31+$0x2010]  }
0xbc: {  	v22 =	vld [tilespmem:s31+$0x2020]  }
0xbd: {  	v23 =	vld [tilespmem:s31+$0x4000]  }
0xbe: {  	v24 =	vld [tilespmem:s31+$0x4010]  }
0xbf: {  	v25 =	vld [tilespmem:s31+$0x4020];
	_ =	swait.ge [sflag:s28], $0x2000  }
0xc0: {  	[sflag:s28] =	ssyncset.done $0x0  }
0xc1: {  	[sflag:s28] =	ssyncadd.s32 $0xFFFFE000  }
0xc2: {  	_ =	swait.ge [sflag:s29], $0x2000  }
0xc3: {  	[sflag:s29] =	ssyncset.done $0x0  }
0xc4: {  	[sflag:s29] =	ssyncadd.s32 $0xFFFFE000  }
0xc5: {  	v10 =	vmul.f32 v10, v5;
	_ =	swait.ge [sflag:s30], $0x2000  }
0xc6: {  	v7 =	vadd.f32 v13, v7;
	[sflag:s30] =	ssyncset.done $0x0  }
0xc7: {  	s6 =	simm.s32 $0x0;
	v9 =	vadd.f32 v10, v9;
	v10 =	vmul.f32 v11, v4;
	v11 =	vmul.f32 $5.000000000e-01, v14;
	[sflag:s30] =	ssyncadd.s32 $0xFFFFE000  }
0xc8: {  	v6 =	vmul.f32 v7, v6;
	v7 =	vmul.f32 $5.000000000e-01, v15;
	v13 =	vld [tilespmem:s6+$0xE030]  }
0xc9: {  	v8 =	vadd.f32 v10, v8;
	v5 =	vmul.f32 v9, v5;
	v9 =	vmul.f32 v11, v16;
	v10 =	vld [tilespmem:s6+$0xE000]  }
0xca: {  	v3 =	vadd.f32 v12, v3;
	v11 =	vmul.f32 $5.000000000e-01, v17;
	v7 =	vmul.f32 v7, v20;
	v14 =	vld [tilespmem:s6+$0xA030]  }
0xcb: {  	v12 =	vadd.f32 v6, v2;
	v2 =	vmul.f32 v8, v4;
	v4 =	vmul.f32 $5.000000000e-01, v19;
	v8 =	vld [tilespmem:s6+$0xE010]  }
0xcc: {  	v1 =	vadd.f32 v5, v1;
	v6 =	vadd.f32 v9, v18;
	v9 =	vmul.f32 v11, v21;
	v11 =	vld [tilespmem:s6+$0xC030]  }
0xcd: {  	v7 =	vadd.f32 v7, v23;
	v4 =	vmul.f32 v4, v22;
	v15 =	vld [tilespmem:s6+$0xE020];
	v5 =	vmul.f32 $5.000000000e-01, v13  }
0xce: {  	v61 =	vadd.f32 v2, v0;
	v9 =	vadd.f32 v9, v24;
	v13 =	vmul.f32 v6, v16;
	v6 =	vld [tilespmem:s6+$0xA000]  }
0xcf: {  	v2 =	vld [tilespmem:s6+$0xA010];
	v7 =	vmul.f32 v7, v20;
	v0 =	vadd.f32 v4, v25;
	v62 =	vmul.f32 v5, v14  }
0xd0: {  	v4 =	vld [tilespmem:s6+$0xA020];
	v63 =	vmul.f32 $5.000000000e-01, v10;
	v5 =	vadd.f32 v13, v3;
	v13 =	vmul.f32 v9, v21  }
0xd1: {  	v3 =	vadd.f32 v7, v12;
	v12 =	vmul.f32 v0, v22;
	v9 =	vld [tilespmem:s6+$0xC000];
	v17 =	vadd.f32 v62, v11  }
0xd2: {  	v10 =	vmul.f32 $5.000000000e-01, v8;
	v7 =	vld [tilespmem:s6+$0xC010];
	v0 =	vadd.f32 v13, v1;
	v11 =	vmul.f32 $5.000000000e-01, v15  }
0xd3: {  	s31 =	simm.s32 $0x40;
	s5 =	simm.s32 $0x200;
	v8 =	vld [tilespmem:s6+$0xC020];
	v1 =	vadd.f32 v12, v61;
	v12 =	vmul.f32 v63, v6;
	v13 =	vmul.f32 v17, v14  }
.LBB2_8:
0xd4: {  	p0 =	sne.s32 s5, $0x7F00;
	v14 =	vld [tilespmem:s31+$0xE030];
	v10 =	vmul.f32 v10, v2  }
0xd5: {  	v15 =	vld [tilespmem:s31+$0xE000];
	v11 =	vmul.f32 v11, v4;
	v5 =	vadd.f32 v13, v5  }
0xd6: {  	v13 =	vld [tilespmem:s31+$0xA030];
	v9 =	vadd.f32 v12, v9  }
0xd7: {  	v12 =	vld [tilespmem:s31+$0xE010];
	v7 =	vadd.f32 v10, v7  }
0xd8: {  	v16 =	vld [tilespmem:s31+$0xC030];
	v9 =	vmul.f32 v9, v6;
	v8 =	vadd.f32 v11, v8  }
0xd9: {  	v11 =	vld [tilespmem:s31+$0xE020];
	v10 =	vmul.f32 $5.000000000e-01, v14;
	v7 =	vmul.f32 v7, v2  }
0xda: {  	v6 =	vld [tilespmem:s31+$0xA000];
	v14 =	vmul.f32 $5.000000000e-01, v15;
	v3 =	vadd.f32 v9, v3;
	v8 =	vmul.f32 v8, v4  }
.Ltmp3:
0xdb: {  	v2 =	vld [tilespmem:s31+$0xA010];
	v15 =	vmul.f32 v10, v13;
	v0 =	vadd.f32 v7, v0;
	(pc) =	sbr.rel @p0 .LBB2_8-.Ltmp3, $4  }
0xdc: {  	v10 =	vmul.f32 $5.000000000e-01, v12;
	v4 =	vld [tilespmem:s31+$0xA020];
	v1 =	vadd.f32 v8, v1  }
0xdd: {  	v9 =	vld [tilespmem:s31+$0xC000];
	v15 =	vadd.f32 v15, v16  }
0xde: {  	v7 =	vld [tilespmem:s31+$0xC010];
	v11 =	vmul.f32 $5.000000000e-01, v11  }
0xdf: {  	v12 =	vmul.f32 v14, v6;
	v8 =	vld [tilespmem:s31+$0xC020];
	s31 =	sshra.s32 s5, $0x2;
	s5 =	sadd.s32 $0x100, s5;
	v13 =	vmul.f32 v15, v13  }
0xe0: {  	v14 =	vld [tilespmem:s31+$0xE030]  }
0xe1: {  	v15 =	vld [tilespmem:s31+$0xE000]  }
0xe2: {  	v16 =	vld [tilespmem:s31+$0xA030]  }
0xe3: {  	v17 =	vld [tilespmem:s31+$0xE010]  }
0xe4: {  	v18 =	vld [tilespmem:s31+$0xC030]  }
0xe5: {  	v19 =	vld [tilespmem:s31+$0xE020]  }
0xe6: {  	v20 =	vld [tilespmem:s31+$0xA000]  }
0xe7: {  	v21 =	vld [tilespmem:s31+$0xA010]  }
0xe8: {  	v44 =	vld [tilespmem:s31+$0xA020];
	v9 =	vadd.f32 v12, v9  }
0xe9: {  	v10 =	vmul.f32 v10, v2;
	v22 =	vld [tilespmem:s31+$0xC000]  }
0xea: {  	v45 =	vld [tilespmem:s31+$0xC010];
	v11 =	vmul.f32 v11, v4;
	v6 =	vmul.f32 v9, v6  }
0xeb: {  	v48 =	vld [tilespmem:s31+$0xC020];
	v5 =	vadd.f32 v13, v5;
	v46 =	vmul.f32 $5.000000000e-01, v14;
	v47 =	vmul.f32 $5.000000000e-01, v15  }
0xec: {  	v7 =	vadd.f32 v10, v7;
	v49 =	vmul.f32 $5.000000000e-01, v17;
	v50 =	vmul.f32 $5.000000000e-01, v19  }
0xed: {  	v8 =	vadd.f32 v11, v8;
	v51 =	vmul.f32 v46, v16;
	v52 =	vmul.f32 v47, v20  }
0xee: {  	v3 =	vadd.f32 v6, v3;
	v53 =	vmul.f32 v49, v21;
	v54 =	vmul.f32 v50, v44  }
0xef: {  	v55 =	vmul.f32 v7, v2;
	v56 =	vadd.f32 v51, v18;
	v57 =	vadd.f32 v52, v22  }
0xf0: {  	v58 =	vmul.f32 v8, v4;
	v6 =	vadd.f32 v53, v45;
	v59 =	vadd.f32 v54, v48  }
0xf1: {  	v0 =	vadd.f32 v55, v0;
	v60 =	vmul.f32 v56, v16;
	v61 =	vmul.f32 v57, v20  }
0xf2: {  	v1 =	vadd.f32 v58, v1;
	v62 =	vmul.f32 v6, v21;
	v63 =	vmul.f32 v59, v44  }
0xf3: {  	v2 =	vadd.f32 v60, v5;
	v3 =	vadd.f32 v61, v3  }
0xf4: {  	v0 =	vadd.f32 v62, v0;
	v1 =	vadd.f32 v63, v1;
	_ =	sdelay $0x1  }
0xf5: {  	v0 =	vadd.f32 v0, v3;
	v1 =	vadd.f32 v2, v1;
	_ =	sdelay $0x1  }
0xf6: {  	s2 =	sadd.s32 $0x1, s2;
	v0 =	vadd.f32 v1, v0  }
0xf7: {  	p0 =	sne.s32 s2, s14  }
.Ltmp4:
0xf8: {  	s5 =	simm.s32 $0x10000;
	[tilespmem:$0x10000] =	vst v0;
	(pc) =	sbr.rel @p0 .LBB2_1-.Ltmp4, $4  }
0xf9: {  	[hbm4b:s13+s4] =	stream.linear.scatter [tilespmem:s5], [sflag:$0x9], $0x10, $0x38;
	[tilespmem:$0x10080] =	vst v63  }
0xfa: {  	_ =	swait.ge [sflag:s0], $0x10  }
0xfb: {  	[sflag:s0] =	ssyncset.done $0x0  }
0xfc: {  	[sflag:s0] =	ssyncadd.s32 $0xFFFFFFF0  }
0xfd: {  	_ =	sfence.sel $0x180000  }
0xfe: {  	[bflag:$0x0] =	sbarrier.arrive $0xFFFF  }
0xff: {  	_ =	strace $0x90000047  }
0x100: {  	s0 =	stileid.u32;
	[bflag:$0x2] =	sbarrier.arrive $0xFFFF  }
0x101: {  	p0 =	sne.s32 s0, $0x0;
	s0 =	rddreg [dreg:$0x5]  }
0x102: {  	s0 =	sadd.s32 @!p0 $0x100000, s0  }
0x103: {  	[sflag:s0] =	ssyncadd.tile.s32 @!p0 $0x1;
	_ =	shalt  }
.Lfunc_end2:
_tile_overlayer_lowered:
.L_overlay_start_2:
0x104: {  	(tag) =	ssettag $0x2  }
0x105: {  	s0 =	rddreg [dreg:$0x0];
	s2 =	stileid.u32  }
0x106: {  	s1 =	rddreg [dreg:$0x1];
	p0 =	sne.s32 s2, $0x0  }
0x107: {  	s3 =	rddreg [dreg:$0x2];
	[bflag:$0x3] =	sbarrier.arrive $0xFFFF;
	s2 =	simm.s32 @!p0 $0x1C09  }
0x108: {  	[timem:s3], [sflag:s2] =	dma.local @!p0 [hbm:s0], s1  }
0x109: {  	s0 =	simm.s32 @!p0 $0x9  }
0x10a: {  	_ =	swait.ge @!p0 [sflag:s0], s1  }
0x10b: {  	s1 =	ssub.s32 @!p0 $0x0, s1;
	[sflag:s0] =	ssyncset.done @!p0 $0x0  }
0x10c: {  	[sflag:s0] =	ssyncadd.s32 @!p0 s1  }
0x10d: {  	[bflag:$0x3] =	sbarrier.arrive $0xFFFF  }
0x10e: {  	_ =	shalt  }

</sc_bundles>
